<compile_context>
chip_gen: v7x
topology: tpu7x:2x2x1
jax: 0.10.2.dev20260603
libtpu: 0.0.44.dev20260713+nightly
codegen_flags: <defaults>
</compile_context>

<pallas_src>
import functools

import jax
import jax.numpy as jnp
from jax import lax
from jax.experimental import pallas as pl
from jax.experimental.pallas import tpu as pltpu
from jax.experimental.pallas import tpu_sc as plsc

_K = 8192
_D = 256
_N = 8192
_R = 256
_NTILES = _N // _R
_BETA = 0.25

_NC = 2
_NS = 16
_NW = _NC * _NS
_BPW = _N // _NW
_XCHUNK = 64


def _argmin_body(xsq_ref, wsq_ref, x_ref, w_ref, idx_ref, acc_ref):
    m = lax.dot_general(
        x_ref[...], w_ref[...],
        dimension_numbers=(((1,), (1,)), ((), ())),
        preferred_element_type=jnp.float32,
    )
    d = (xsq_ref[...] + wsq_ref[...]) - 2.0 * m
    minv = jnp.min(d, axis=1, keepdims=True)
    iota = lax.broadcasted_iota(jnp.int32, d.shape, 1)
    cand = jnp.where(d == minv, iota, _K)
    idx = jnp.min(cand, axis=1)
    idx_ref[0, 0, :] = idx

    @pl.when(pl.program_id(0) == 0)
    def _init():
        acc_ref[0, 0] = 0.0

    acc_ref[0, 0] += jnp.sum(minv)


def _distance_argmin(flat, xsq, wsq, weight):
    return pl.pallas_call(
        _argmin_body,
        grid=(_NTILES,),
        in_specs=[
            pl.BlockSpec((_R, 1), lambda i: (i, 0)),
            pl.BlockSpec((1, _K), lambda i: (0, 0)),
            pl.BlockSpec((_R, _D), lambda i: (i, 0)),
            pl.BlockSpec((_K, _D), lambda i: (0, 0)),
        ],
        out_specs=[
            pl.BlockSpec((1, 1, _R), lambda i: (i, 0, 0)),
            pl.BlockSpec(memory_space=pltpu.SMEM, block_shape=(1, 1),
                         index_map=lambda i: (0, 0)),
        ],
        out_shape=[
            jax.ShapeDtypeStruct((_NTILES, 1, _R), jnp.int32),
            jax.ShapeDtypeStruct((1, 1), jnp.float32),
        ],
    )(xsq, wsq, flat, weight)


@functools.cache
def _make_gather_st():
    mesh = plsc.VectorSubcoreMesh(core_axis_name="c", subcore_axis_name="s")

    @functools.partial(
        pl.kernel,
        mesh=mesh,
        out_type=jax.ShapeDtypeStruct((_N, _D), jnp.float32),
        scratch_types=[
            pltpu.VMEM((2, _BPW // 2), jnp.int32),
            pltpu.VMEM((_BPW, _D), jnp.float32),
            pltpu.VMEM((_XCHUNK, _D), jnp.float32),
            pltpu.SemaphoreType.DMA,
        ],
    )
    def _gather_st(w_hbm, idx_hbm, x_hbm, out_hbm, idx_v, rows_v, x_v, sem):
        wid = lax.axis_index("s") * _NC + lax.axis_index("c")
        base = wid * _BPW
        pltpu.sync_copy(idx_hbm.at[wid], idx_v)
        half = _BPW // 2
        c0 = pltpu.async_copy(w_hbm.at[idx_v.at[0]], rows_v.at[pl.ds(0, half)], sem)
        c1 = pltpu.async_copy(w_hbm.at[idx_v.at[1]], rows_v.at[pl.ds(half, half)], sem)
        c0.wait()
        c1.wait()
        for c in range(_BPW // _XCHUNK):
            pltpu.sync_copy(x_hbm.at[pl.ds(base + c * _XCHUNK, _XCHUNK)], x_v)

            def body(r, carry, c=c):
                row = c * _XCHUNK + r
                for j in range(_D // 16):
                    sl = pl.ds(j * 16, 16)
                    q = rows_v[row, sl]
                    xv = x_v[r, sl]
                    rows_v[row, sl] = xv + (q - xv)
                return carry

            lax.fori_loop(0, _XCHUNK, body, 0)
        pltpu.sync_copy(rows_v, out_hbm.at[pl.ds(base, _BPW)])

    return _gather_st


def kernel(encoder_inputs, weight):
    x = jnp.transpose(encoder_inputs, (0, 2, 3, 1))
    shape = x.shape
    flat = x.reshape(-1, _D)
    xsq = jnp.sum(flat ** 2, axis=1, keepdims=True)
    wsq = jnp.sum(weight ** 2, axis=1).reshape(1, _K)

    idx3, acc = _distance_argmin(flat, xsq, wsq, weight)
    idx = idx3.reshape(_NW, 2, _BPW // 2)

    out_flat = _make_gather_st()(weight, idx, flat)

    mean_d = acc[0, 0] / jnp.float32(_N * _D)
    loss = mean_d + _BETA * mean_d

    quantized = jnp.transpose(out_flat.reshape(shape), (0, 3, 1, 2))
    return (quantized, loss)

# --- scband reference (transcript-rebuilt; emitter-appended) ---
"""Pipeline reference for scband-vq-30863634989511 (READ-ONLY COPY).

The authoritative reference and input builder live on the scoring server;
editing this copy changes nothing except your own understanding.
"""

import jax, jax.numpy as jnp
import numpy as np

K = 8192
D = 256
BETA = 0.25

def setup_inputs(seed: int = 0) -> dict:
    key = jax.random.key(seed)
    k1, k2 = jax.random.split(key)
    encoder_inputs = jax.random.normal(k1, (8, 256, 32, 32), dtype=jnp.float32)
    weight = jax.random.uniform(k2, (K, D), dtype=jnp.float32, minval=-1.0 / K, maxval=1.0 / K)
    return {"encoder_inputs": encoder_inputs, "weight": weight}

def reference(encoder_inputs, weight):
    # BCHW -> BHWC
    x = jnp.transpose(encoder_inputs, (0, 2, 3, 1))
    shape = x.shape
    flat = x.reshape(-1, D)
    # squared L2 distances between each input vector and each codebook vector
    all_distances = (
        jnp.sum(flat ** 2, axis=1, keepdims=True)
        + jnp.sum(weight ** 2, axis=1)
        - 2.0 * jnp.matmul(flat, weight.T)
    )
    indexes = jnp.argmin(all_distances, axis=1)
    n = flat.shape[0]
    # one-hot encodings via scatter-overwrite
    encodings = jnp.zeros((n, K), dtype=flat.dtype).at[jnp.arange(n), indexes].set(1.0)
    quantized_bhwc = jnp.matmul(encodings, weight).reshape(shape)
    # VQ-VAE loss: codebook term + beta * commitment term
    first_term = jnp.mean((jax.lax.stop_gradient(quantized_bhwc) - x) ** 2)
    second_term = jnp.mean((quantized_bhwc - jax.lax.stop_gradient(x)) ** 2)
    loss = first_term + BETA * second_term
    # straight-through estimator
    quantized_bhwc = x + jax.lax.stop_gradient(quantized_bhwc - x)
    # BHWC -> BCHW
    quantized = jnp.transpose(quantized_bhwc, (0, 3, 1, 2))
    return (quantized, loss)

if __name__ == "__main__":
    import jax
    _d = setup_inputs()
    print(jax.jit(kernel)(*tuple(_d.values())))

</pallas_src>

<mosaic_0001>
#map = affine_map<(d0, d1) -> (0, 0)>
#map1 = affine_map<(d0, d1) -> (0, 0, 0)>
module attributes {stable_mosaic.version = 14 : i64} {
  func.func @_gather_st(%arg0: i32, %arg1: i32, %arg2: memref<8192x256xf32, #tpu.memory_space<hbm>>, %arg3: memref<32x2x128xi32, #tpu.memory_space<hbm>>, %arg4: memref<8192x256xf32, #tpu.memory_space<hbm>>, %arg5: memref<8192x256xf32, #tpu.memory_space<hbm>>, %arg6: memref<2x128xi32, #tpu.memory_space<vmem>>, %arg7: memref<256x256xf32, #tpu.memory_space<vmem>>, %arg8: memref<64x256xf32, #tpu.memory_space<vmem>>, %arg9: memref<!tpu.dma_semaphore, #tpu.memory_space<semaphore_mem>>) attributes {dimension_semantics = [#tpu.dimension_semantics<core_parallel>, #tpu.dimension_semantics<subcore_parallel>], iteration_bounds = array<i64: 2, 16>, scalar_prefetch = 0 : i64, scratch_operands = 4 : i64, tpu.core_type = #tpu.core_type<sc_vector_subcore>, window_params = [{transform_indices = #map}, {transform_indices = #map1}, {transform_indices = #map}, {transform_indices = #map}]} {
    %mul3A = arith.constant 2 : i32
    %mul3A_0 = arith.muli %arg1, %mul3A : i32
    %add3A = arith.addi %mul3A_0, %arg0 : i32
    %mul3A_1 = arith.constant 256 : i32
    %mul3A_2 = arith.muli %add3A, %mul3A_1 : i32
    "tpu.region"() ({
      %run_scoped3A = tpu.sem_alloc : memref<!tpu.dma_semaphore, #tpu.memory_space<semaphore_mem>>
      %dma_start3A_72 = arith.constant 0 : i32
      %dma_start3A_73 = arith.constant 0 : i32
      %dma_start3A_74 = tpu.memref_slice %arg3[%add3A, %dma_start3A_72, %dma_start3A_73] : memref<32x2x128xi32, #tpu.memory_space<hbm>> -> memref<1x2x128xi32, #tpu.memory_space<hbm>>
      %dma_start3A_75 = tpu.memref_squeeze %dma_start3A_74 : memref<1x2x128xi32, #tpu.memory_space<hbm>> -> memref<2x128xi32, #tpu.memory_space<hbm>>
      %dma_start3A_76 = arith.constant 0 : i32
      %dma_start3A_77 = arith.constant 0 : i32
      %dma_start3A_78 = tpu.memref_slice %arg3[%add3A, %dma_start3A_76, %dma_start3A_77] : memref<32x2x128xi32, #tpu.memory_space<hbm>> -> memref<1x2x128xi32, #tpu.memory_space<hbm>>
      %dma_start3A_79 = tpu.memref_squeeze %dma_start3A_78 : memref<1x2x128xi32, #tpu.memory_space<hbm>> -> memref<2x128xi32, #tpu.memory_space<hbm>>
      tpu.enqueue_dma source(%dma_start3A_79 : memref<2x128xi32, #tpu.memory_space<hbm>>) target(%arg6 : memref<2x128xi32, #tpu.memory_space<vmem>>) target_semaphore(%run_scoped3A : memref<!tpu.dma_semaphore, #tpu.memory_space<semaphore_mem>>)
      %dma_wait3A_80 = arith.constant 0 : i32
      %dma_wait3A_81 = arith.constant 0 : i32
      %dma_wait3A_82 = tpu.memref_slice %arg3[%add3A, %dma_wait3A_80, %dma_wait3A_81] : memref<32x2x128xi32, #tpu.memory_space<hbm>> -> memref<1x2x128xi32, #tpu.memory_space<hbm>>
      %dma_wait3A_83 = tpu.memref_squeeze %dma_wait3A_82 : memref<1x2x128xi32, #tpu.memory_space<hbm>> -> memref<2x128xi32, #tpu.memory_space<hbm>>
      %dma_wait3A_84 = arith.constant 0 : i32
      %dma_wait3A_85 = arith.constant 0 : i32
      %dma_wait3A_86 = tpu.memref_slice %arg3[%add3A, %dma_wait3A_84, %dma_wait3A_85] : memref<32x2x128xi32, #tpu.memory_space<hbm>> -> memref<1x2x128xi32, #tpu.memory_space<hbm>>
      %dma_wait3A_87 = tpu.memref_squeeze %dma_wait3A_86 : memref<1x2x128xi32, #tpu.memory_space<hbm>> -> memref<2x128xi32, #tpu.memory_space<hbm>>
      tpu.wait_dma2 semaphore(%run_scoped3A : memref<!tpu.dma_semaphore, #tpu.memory_space<semaphore_mem>>) src(%dma_wait3A_87 : memref<2x128xi32, #tpu.memory_space<hbm>>) dst(%arg6 : memref<2x128xi32, #tpu.memory_space<vmem>>)
      tpu.yield
    }) : () -> ()
    %dma_start3A = arith.constant 0 : i32
    %dma_start3A_3 = arith.constant 0 : i32
    %dma_start3A_4 = arith.constant 0 : i32
    %dma_start3A_5 = tpu.memref_slice %arg7[%dma_start3A_3, %dma_start3A_4] : memref<256x256xf32, #tpu.memory_space<vmem>> -> memref<128x256xf32, #tpu.memory_space<vmem>>
    %dma_start3A_6 = arith.constant 0 : i32
    %dma_start3A_7 = tpu.memref_slice %arg6[%dma_start3A, %dma_start3A_6] : memref<2x128xi32, #tpu.memory_space<vmem>> -> memref<1x128xi32, #tpu.memory_space<vmem>>
    %dma_start3A_8 = tpu.memref_squeeze %dma_start3A_7 : memref<1x128xi32, #tpu.memory_space<vmem>> -> memref<128xi32, #tpu.memory_space<vmem>>
    %dma_start3A_9 = arith.constant 0 : i32
    %dma_start3A_10 = arith.constant 0 : i32
    %dma_start3A_11 = tpu.memref_slice %arg2[%dma_start3A_9, %dma_start3A_10] : memref<8192x256xf32, #tpu.memory_space<hbm>> -> memref<8192x256xf32, #tpu.memory_space<hbm>>
    tpu.enqueue_indirect_dma source(%dma_start3A_11 : memref<8192x256xf32, #tpu.memory_space<hbm>>) target(%dma_start3A_5 : memref<128x256xf32, #tpu.memory_space<vmem>>) offsets(%dma_start3A_8 : memref<128xi32, #tpu.memory_space<vmem>>) semaphore(%arg9 : memref<!tpu.dma_semaphore, #tpu.memory_space<semaphore_mem>>)
    %dma_start3A_12 = arith.constant 1 : i32
    %dma_start3A_13 = arith.constant 128 : i32
    %dma_start3A_14 = arith.constant 0 : i32
    %dma_start3A_15 = tpu.memref_slice %arg7[%dma_start3A_13, %dma_start3A_14] : memref<256x256xf32, #tpu.memory_space<vmem>> -> memref<128x256xf32, #tpu.memory_space<vmem>>
    %dma_start3A_16 = arith.constant 0 : i32
    %dma_start3A_17 = tpu.memref_slice %arg6[%dma_start3A_12, %dma_start3A_16] : memref<2x128xi32, #tpu.memory_space<vmem>> -> memref<1x128xi32, #tpu.memory_space<vmem>>
    %dma_start3A_18 = tpu.memref_squeeze %dma_start3A_17 : memref<1x128xi32, #tpu.memory_space<vmem>> -> memref<128xi32, #tpu.memory_space<vmem>>
    %dma_start3A_19 = arith.constant 0 : i32
    %dma_start3A_20 = arith.constant 0 : i32
    %dma_start3A_21 = tpu.memref_slice %arg2[%dma_start3A_19, %dma_start3A_20] : memref<8192x256xf32, #tpu.memory_space<hbm>> -> memref<8192x256xf32, #tpu.memory_space<hbm>>
    tpu.enqueue_indirect_dma source(%dma_start3A_21 : memref<8192x256xf32, #tpu.memory_space<hbm>>) target(%dma_start3A_15 : memref<128x256xf32, #tpu.memory_space<vmem>>) offsets(%dma_start3A_18 : memref<128xi32, #tpu.memory_space<vmem>>) semaphore(%arg9 : memref<!tpu.dma_semaphore, #tpu.memory_space<semaphore_mem>>)
    %dma_wait3A = arith.constant 0 : i32
    %dma_wait3A_22 = arith.constant 0 : i32
    %dma_wait3A_23 = arith.constant 0 : i32
    %dma_wait3A_24 = tpu.memref_slice %arg7[%dma_wait3A_22, %dma_wait3A_23] : memref<256x256xf32, #tpu.memory_space<vmem>> -> memref<128x256xf32, #tpu.memory_space<vmem>>
    %dma_wait3A_25 = arith.constant 0 : i32
    %dma_wait3A_26 = tpu.memref_slice %arg6[%dma_wait3A, %dma_wait3A_25] : memref<2x128xi32, #tpu.memory_space<vmem>> -> memref<1x128xi32, #tpu.memory_space<vmem>>
    %dma_wait3A_27 = tpu.memref_squeeze %dma_wait3A_26 : memref<1x128xi32, #tpu.memory_space<vmem>> -> memref<128xi32, #tpu.memory_space<vmem>>
    %dma_wait3A_28 = arith.constant 0 : i32
    %dma_wait3A_29 = arith.constant 0 : i32
    %dma_wait3A_30 = tpu.memref_slice %arg2[%dma_wait3A_28, %dma_wait3A_29] : memref<8192x256xf32, #tpu.memory_space<hbm>> -> memref<8192x256xf32, #tpu.memory_space<hbm>>
    tpu.wait_indirect_dma semaphore(%arg9 : memref<!tpu.dma_semaphore, #tpu.memory_space<semaphore_mem>>) src(%dma_wait3A_30 : memref<8192x256xf32, #tpu.memory_space<hbm>>) dst(%dma_wait3A_24 : memref<128x256xf32, #tpu.memory_space<vmem>>)
    %dma_wait3A_31 = arith.constant 1 : i32
    %dma_wait3A_32 = arith.constant 128 : i32
    %dma_wait3A_33 = arith.constant 0 : i32
    %dma_wait3A_34 = tpu.memref_slice %arg7[%dma_wait3A_32, %dma_wait3A_33] : memref<256x256xf32, #tpu.memory_space<vmem>> -> memref<128x256xf32, #tpu.memory_space<vmem>>
    %dma_wait3A_35 = arith.constant 0 : i32
    %dma_wait3A_36 = tpu.memref_slice %arg6[%dma_wait3A_31, %dma_wait3A_35] : memref<2x128xi32, #tpu.memory_space<vmem>> -> memref<1x128xi32, #tpu.memory_space<vmem>>
    %dma_wait3A_37 = tpu.memref_squeeze %dma_wait3A_36 : memref<1x128xi32, #tpu.memory_space<vmem>> -> memref<128xi32, #tpu.memory_space<vmem>>
    %dma_wait3A_38 = arith.constant 0 : i32
    %dma_wait3A_39 = arith.constant 0 : i32
    %dma_wait3A_40 = tpu.memref_slice %arg2[%dma_wait3A_38, %dma_wait3A_39] : memref<8192x256xf32, #tpu.memory_space<hbm>> -> memref<8192x256xf32, #tpu.memory_space<hbm>>
    tpu.wait_indirect_dma semaphore(%arg9 : memref<!tpu.dma_semaphore, #tpu.memory_space<semaphore_mem>>) src(%dma_wait3A_40 : memref<8192x256xf32, #tpu.memory_space<hbm>>) dst(%dma_wait3A_34 : memref<128x256xf32, #tpu.memory_space<vmem>>)
    %add3A_41 = arith.constant 0 : i32
    %add3A_42 = arith.addi %mul3A_2, %add3A_41 : i32
    "tpu.region"() ({
      %run_scoped3A = tpu.sem_alloc : memref<!tpu.dma_semaphore, #tpu.memory_space<semaphore_mem>>
      %dma_start3A_72 = arith.constant 0 : i32
      %dma_start3A_73 = tpu.memref_slice %arg4[%add3A_42, %dma_start3A_72] : memref<8192x256xf32, #tpu.memory_space<hbm>> -> memref<64x256xf32, #tpu.memory_space<hbm>>
      %dma_start3A_74 = arith.constant 0 : i32
      %dma_start3A_75 = tpu.memref_slice %arg4[%add3A_42, %dma_start3A_74] : memref<8192x256xf32, #tpu.memory_space<hbm>> -> memref<64x256xf32, #tpu.memory_space<hbm>>
      tpu.enqueue_dma source(%dma_start3A_75 : memref<64x256xf32, #tpu.memory_space<hbm>>) target(%arg8 : memref<64x256xf32, #tpu.memory_space<vmem>>) target_semaphore(%run_scoped3A : memref<!tpu.dma_semaphore, #tpu.memory_space<semaphore_mem>>)
      %dma_wait3A_76 = arith.constant 0 : i32
      %dma_wait3A_77 = tpu.memref_slice %arg4[%add3A_42, %dma_wait3A_76] : memref<8192x256xf32, #tpu.memory_space<hbm>> -> memref<64x256xf32, #tpu.memory_space<hbm>>
      %dma_wait3A_78 = arith.constant 0 : i32
      %dma_wait3A_79 = tpu.memref_slice %arg4[%add3A_42, %dma_wait3A_78] : memref<8192x256xf32, #tpu.memory_space<hbm>> -> memref<64x256xf32, #tpu.memory_space<hbm>>
      tpu.wait_dma2 semaphore(%run_scoped3A : memref<!tpu.dma_semaphore, #tpu.memory_space<semaphore_mem>>) src(%dma_wait3A_79 : memref<64x256xf32, #tpu.memory_space<hbm>>) dst(%arg8 : memref<64x256xf32, #tpu.memory_space<vmem>>)
      tpu.yield
    }) : () -> ()
    %scan3A = arith.constant 0 : i32
    %scan3A_43 = arith.constant 0 : i32
    %scan3A_44 = arith.constant 64 : i32
    %scan3A_45 = arith.addi %scan3A_43, %scan3A_44 : i32
    %scan3A_46 = arith.constant 1 : i32
    scf.for %scan3A_72 = %scan3A_43 to %scan3A_45 step %scan3A_46  : i32 {
      %add3A_73 = arith.constant 0 : i32
      %add3A_74 = arith.addi %add3A_73, %scan3A_72 : i32
      %get3A = arith.index_cast %add3A_74 : i32 to index
      %get3A_75 = arith.constant 0 : index
      %get3A_76 = tpu.vector_load %arg7[%get3A, %get3A_75] {strides = array<i32>} : memref<256x256xf32, #tpu.memory_space<vmem>>, vector<1x16xf32>,
      %get3A_77 = vector.shape_cast %get3A_76 : vector<1x16xf32> to vector<16xf32>
      %get3A_78 = arith.index_cast %scan3A_72 : i32 to index
      %get3A_79 = arith.constant 0 : index
      %get3A_80 = tpu.vector_load %arg8[%get3A_78, %get3A_79] {strides = array<i32>} : memref<64x256xf32, #tpu.memory_space<vmem>>, vector<1x16xf32>,
      %get3A_81 = vector.shape_cast %get3A_80 : vector<1x16xf32> to vector<16xf32>
      %sub3A = arith.subf %get3A_77, %get3A_81 : vector<16xf32>
      %add3A_82 = arith.addf %get3A_81, %sub3A : vector<16xf32>
      %swap3A = arith.index_cast %add3A_74 : i32 to index
      %swap3A_83 = arith.constant 0 : index
      %swap3A_84 = tpu.vector_load %arg7[%swap3A, %swap3A_83] {strides = array<i32>} : memref<256x256xf32, #tpu.memory_space<vmem>>, vector<1x16xf32>,
      %swap3A_85 = vector.shape_cast %swap3A_84 : vector<1x16xf32> to vector<16xf32>
      %swap3A_86 = vector.shape_cast %add3A_82 : vector<16xf32> to vector<1x16xf32>
      tpu.vector_store %arg7[%swap3A, %swap3A_83], %swap3A_86 {strides = array<i32>} : memref<256x256xf32, #tpu.memory_space<vmem>>, vector<1x16xf32>,
      %get3A_87 = arith.index_cast %add3A_74 : i32 to index
      %get3A_88 = arith.constant 16 : index
      %get3A_89 = tpu.vector_load %arg7[%get3A_87, %get3A_88] {strides = array<i32>} : memref<256x256xf32, #tpu.memory_space<vmem>>, vector<1x16xf32>,
      %get3A_90 = vector.shape_cast %get3A_89 : vector<1x16xf32> to vector<16xf32>
      %get3A_91 = arith.index_cast %scan3A_72 : i32 to index
      %get3A_92 = arith.constant 16 : index
      %get3A_93 = tpu.vector_load %arg8[%get3A_91, %get3A_92] {strides = array<i32>} : memref<64x256xf32, #tpu.memory_space<vmem>>, vector<1x16xf32>,
      %get3A_94 = vector.shape_cast %get3A_93 : vector<1x16xf32> to vector<16xf32>
      %sub3A_95 = arith.subf %get3A_90, %get3A_94 : vector<16xf32>
      %add3A_96 = arith.addf %get3A_94, %sub3A_95 : vector<16xf32>
      %swap3A_97 = arith.index_cast %add3A_74 : i32 to index
      %swap3A_98 = arith.constant 16 : index
      %swap3A_99 = tpu.vector_load %arg7[%swap3A_97, %swap3A_98] {strides = array<i32>} : memref<256x256xf32, #tpu.memory_space<vmem>>, vector<1x16xf32>,
      %swap3A_100 = vector.shape_cast %swap3A_99 : vector<1x16xf32> to vector<16xf32>
      %swap3A_101 = vector.shape_cast %add3A_96 : vector<16xf32> to vector<1x16xf32>
      tpu.vector_store %arg7[%swap3A_97, %swap3A_98], %swap3A_101 {strides = array<i32>} : memref<256x256xf32, #tpu.memory_space<vmem>>, vector<1x16xf32>,
      %get3A_102 = arith.index_cast %add3A_74 : i32 to index
      %get3A_103 = arith.constant 32 : index
      %get3A_104 = tpu.vector_load %arg7[%get3A_102, %get3A_103] {strides = array<i32>} : memref<256x256xf32, #tpu.memory_space<vmem>>, vector<1x16xf32>,
      %get3A_105 = vector.shape_cast %get3A_104 : vector<1x16xf32> to vector<16xf32>
      %get3A_106 = arith.index_cast %scan3A_72 : i32 to index
      %get3A_107 = arith.constant 32 : index
      %get3A_108 = tpu.vector_load %arg8[%get3A_106, %get3A_107] {strides = array<i32>} : memref<64x256xf32, #tpu.memory_space<vmem>>, vector<1x16xf32>,
      %get3A_109 = vector.shape_cast %get3A_108 : vector<1x16xf32> to vector<16xf32>
      %sub3A_110 = arith.subf %get3A_105, %get3A_109 : vector<16xf32>
      %add3A_111 = arith.addf %get3A_109, %sub3A_110 : vector<16xf32>
      %swap3A_112 = arith.index_cast %add3A_74 : i32 to index
      %swap3A_113 = arith.constant 32 : index
      %swap3A_114 = tpu.vector_load %arg7[%swap3A_112, %swap3A_113] {strides = array<i32>} : memref<256x256xf32, #tpu.memory_space<vmem>>, vector<1x16xf32>,
      %swap3A_115 = vector.shape_cast %swap3A_114 : vector<1x16xf32> to vector<16xf32>
      %swap3A_116 = vector.shape_cast %add3A_111 : vector<16xf32> to vector<1x16xf32>
      tpu.vector_store %arg7[%swap3A_112, %swap3A_113], %swap3A_116 {strides = array<i32>} : memref<256x256xf32, #tpu.memory_space<vmem>>, vector<1x16xf32>,
      %get3A_117 = arith.index_cast %add3A_74 : i32 to index
      %get3A_118 = arith.constant 48 : index
      %get3A_119 = tpu.vector_load %arg7[%get3A_117, %get3A_118] {strides = array<i32>} : memref<256x256xf32, #tpu.memory_space<vmem>>, vector<1x16xf32>,
      %get3A_120 = vector.shape_cast %get3A_119 : vector<1x16xf32> to vector<16xf32>
      %get3A_121 = arith.index_cast %scan3A_72 : i32 to index
      %get3A_122 = arith.constant 48 : index
      %get3A_123 = tpu.vector_load %arg8[%get3A_121, %get3A_122] {strides = array<i32>} : memref<64x256xf32, #tpu.memory_space<vmem>>, vector<1x16xf32>,
      %get3A_124 = vector.shape_cast %get3A_123 : vector<1x16xf32> to vector<16xf32>
      %sub3A_125 = arith.subf %get3A_120, %get3A_124 : vector<16xf32>
      %add3A_126 = arith.addf %get3A_124, %sub3A_125 : vector<16xf32>
      %swap3A_127 = arith.index_cast %add3A_74 : i32 to index
      %swap3A_128 = arith.constant 48 : index
      %swap3A_129 = tpu.vector_load %arg7[%swap3A_127, %swap3A_128] {strides = array<i32>} : memref<256x256xf32, #tpu.memory_space<vmem>>, vector<1x16xf32>,
      %swap3A_130 = vector.shape_cast %swap3A_129 : vector<1x16xf32> to vector<16xf32>
      %swap3A_131 = vector.shape_cast %add3A_126 : vector<16xf32> to vector<1x16xf32>
      tpu.vector_store %arg7[%swap3A_127, %swap3A_128], %swap3A_131 {strides = array<i32>} : memref<256x256xf32, #tpu.memory_space<vmem>>, vector<1x16xf32>,
      %get3A_132 = arith.index_cast %add3A_74 : i32 to index
      %get3A_133 = arith.constant 64 : index
      %get3A_134 = tpu.vector_load %arg7[%get3A_132, %get3A_133] {strides = array<i32>} : memref<256x256xf32, #tpu.memory_space<vmem>>, vector<1x16xf32>,
      %get3A_135 = vector.shape_cast %get3A_134 : vector<1x16xf32> to vector<16xf32>
      %get3A_136 = arith.index_cast %scan3A_72 : i32 to index
      %get3A_137 = arith.constant 64 : index
      %get3A_138 = tpu.vector_load %arg8[%get3A_136, %get3A_137] {strides = array<i32>} : memref<64x256xf32, #tpu.memory_space<vmem>>, vector<1x16xf32>,
      %get3A_139 = vector.shape_cast %get3A_138 : vector<1x16xf32> to vector<16xf32>
      %sub3A_140 = arith.subf %get3A_135, %get3A_139 : vector<16xf32>
      %add3A_141 = arith.addf %get3A_139, %sub3A_140 : vector<16xf32>
      %swap3A_142 = arith.index_cast %add3A_74 : i32 to index
      %swap3A_143 = arith.constant 64 : index
      %swap3A_144 = tpu.vector_load %arg7[%swap3A_142, %swap3A_143] {strides = array<i32>} : memref<256x256xf32, #tpu.memory_space<vmem>>, vector<1x16xf32>,
      %swap3A_145 = vector.shape_cast %swap3A_144 : vector<1x16xf32> to vector<16xf32>
      %swap3A_146 = vector.shape_cast %add3A_141 : vector<16xf32> to vector<1x16xf32>
      tpu.vector_store %arg7[%swap3A_142, %swap3A_143], %swap3A_146 {strides = array<i32>} : memref<256x256xf32, #tpu.memory_space<vmem>>, vector<1x16xf32>,
      %get3A_147 = arith.index_cast %add3A_74 : i32 to index
      %get3A_148 = arith.constant 80 : index
      %get3A_149 = tpu.vector_load %arg7[%get3A_147, %get3A_148] {strides = array<i32>} : memref<256x256xf32, #tpu.memory_space<vmem>>, vector<1x16xf32>,
      %get3A_150 = vector.shape_cast %get3A_149 : vector<1x16xf32> to vector<16xf32>
      %get3A_151 = arith.index_cast %scan3A_72 : i32 to index
      %get3A_152 = arith.constant 80 : index
      %get3A_153 = tpu.vector_load %arg8[%get3A_151, %get3A_152] {strides = array<i32>} : memref<64x256xf32, #tpu.memory_space<vmem>>, vector<1x16xf32>,
      %get3A_154 = vector.shape_cast %get3A_153 : vector<1x16xf32> to vector<16xf32>
      %sub3A_155 = arith.subf %get3A_150, %get3A_154 : vector<16xf32>
      %add3A_156 = arith.addf %get3A_154, %sub3A_155 : vector<16xf32>
      %swap3A_157 = arith.index_cast %add3A_74 : i32 to index
      %swap3A_158 = arith.constant 80 : index
      %swap3A_159 = tpu.vector_load %arg7[%swap3A_157, %swap3A_158] {strides = array<i32>} : memref<256x256xf32, #tpu.memory_space<vmem>>, vector<1x16xf32>,
      %swap3A_160 = vector.shape_cast %swap3A_159 : vector<1x16xf32> to vector<16xf32>
      %swap3A_161 = vector.shape_cast %add3A_156 : vector<16xf32> to vector<1x16xf32>
      tpu.vector_store %arg7[%swap3A_157, %swap3A_158], %swap3A_161 {strides = array<i32>} : memref<256x256xf32, #tpu.memory_space<vmem>>, vector<1x16xf32>,
      %get3A_162 = arith.index_cast %add3A_74 : i32 to index
      %get3A_163 = arith.constant 96 : index
      %get3A_164 = tpu.vector_load %arg7[%get3A_162, %get3A_163] {strides = array<i32>} : memref<256x256xf32, #tpu.memory_space<vmem>>, vector<1x16xf32>,
      %get3A_165 = vector.shape_cast %get3A_164 : vector<1x16xf32> to vector<16xf32>
      %get3A_166 = arith.index_cast %scan3A_72 : i32 to index
      %get3A_167 = arith.constant 96 : index
      %get3A_168 = tpu.vector_load %arg8[%get3A_166, %get3A_167] {strides = array<i32>} : memref<64x256xf32, #tpu.memory_space<vmem>>, vector<1x16xf32>,
      %get3A_169 = vector.shape_cast %get3A_168 : vector<1x16xf32> to vector<16xf32>
      %sub3A_170 = arith.subf %get3A_165, %get3A_169 : vector<16xf32>
      %add3A_171 = arith.addf %get3A_169, %sub3A_170 : vector<16xf32>
      %swap3A_172 = arith.index_cast %add3A_74 : i32 to index
      %swap3A_173 = arith.constant 96 : index
      %swap3A_174 = tpu.vector_load %arg7[%swap3A_172, %swap3A_173] {strides = array<i32>} : memref<256x256xf32, #tpu.memory_space<vmem>>, vector<1x16xf32>,
      %swap3A_175 = vector.shape_cast %swap3A_174 : vector<1x16xf32> to vector<16xf32>
      %swap3A_176 = vector.shape_cast %add3A_171 : vector<16xf32> to vector<1x16xf32>
      tpu.vector_store %arg7[%swap3A_172, %swap3A_173], %swap3A_176 {strides = array<i32>} : memref<256x256xf32, #tpu.memory_space<vmem>>, vector<1x16xf32>,
      %get3A_177 = arith.index_cast %add3A_74 : i32 to index
      %get3A_178 = arith.constant 112 : index
      %get3A_179 = tpu.vector_load %arg7[%get3A_177, %get3A_178] {strides = array<i32>} : memref<256x256xf32, #tpu.memory_space<vmem>>, vector<1x16xf32>,
      %get3A_180 = vector.shape_cast %get3A_179 : vector<1x16xf32> to vector<16xf32>
      %get3A_181 = arith.index_cast %scan3A_72 : i32 to index
      %get3A_182 = arith.constant 112 : index
      %get3A_183 = tpu.vector_load %arg8[%get3A_181, %get3A_182] {strides = array<i32>} : memref<64x256xf32, #tpu.memory_space<vmem>>, vector<1x16xf32>,
      %get3A_184 = vector.shape_cast %get3A_183 : vector<1x16xf32> to vector<16xf32>
      %sub3A_185 = arith.subf %get3A_180, %get3A_184 : vector<16xf32>
      %add3A_186 = arith.addf %get3A_184, %sub3A_185 : vector<16xf32>
      %swap3A_187 = arith.index_cast %add3A_74 : i32 to index
      %swap3A_188 = arith.constant 112 : index
      %swap3A_189 = tpu.vector_load %arg7[%swap3A_187, %swap3A_188] {strides = array<i32>} : memref<256x256xf32, #tpu.memory_space<vmem>>, vector<1x16xf32>,
      %swap3A_190 = vector.shape_cast %swap3A_189 : vector<1x16xf32> to vector<16xf32>
      %swap3A_191 = vector.shape_cast %add3A_186 : vector<16xf32> to vector<1x16xf32>
      tpu.vector_store %arg7[%swap3A_187, %swap3A_188], %swap3A_191 {strides = array<i32>} : memref<256x256xf32, #tpu.memory_space<vmem>>, vector<1x16xf32>,
      %get3A_192 = arith.index_cast %add3A_74 : i32 to index
      %get3A_193 = arith.constant 128 : index
      %get3A_194 = tpu.vector_load %arg7[%get3A_192, %get3A_193] {strides = array<i32>} : memref<256x256xf32, #tpu.memory_space<vmem>>, vector<1x16xf32>,
      %get3A_195 = vector.shape_cast %get3A_194 : vector<1x16xf32> to vector<16xf32>
      %get3A_196 = arith.index_cast %scan3A_72 : i32 to index
      %get3A_197 = arith.constant 128 : index
      %get3A_198 = tpu.vector_load %arg8[%get3A_196, %get3A_197] {strides = array<i32>} : memref<64x256xf32, #tpu.memory_space<vmem>>, vector<1x16xf32>,
      %get3A_199 = vector.shape_cast %get3A_198 : vector<1x16xf32> to vector<16xf32>
      %sub3A_200 = arith.subf %get3A_195, %get3A_199 : vector<16xf32>
      %add3A_201 = arith.addf %get3A_199, %sub3A_200 : vector<16xf32>
      %swap3A_202 = arith.index_cast %add3A_74 : i32 to index
      %swap3A_203 = arith.constant 128 : index
      %swap3A_204 = tpu.vector_load %arg7[%swap3A_202, %swap3A_203] {strides = array<i32>} : memref<256x256xf32, #tpu.memory_space<vmem>>, vector<1x16xf32>,
      %swap3A_205 = vector.shape_cast %swap3A_204 : vector<1x16xf32> to vector<16xf32>
      %swap3A_206 = vector.shape_cast %add3A_201 : vector<16xf32> to vector<1x16xf32>
      tpu.vector_store %arg7[%swap3A_202, %swap3A_203], %swap3A_206 {strides = array<i32>} : memref<256x256xf32, #tpu.memory_space<vmem>>, vector<1x16xf32>,
      %get3A_207 = arith.index_cast %add3A_74 : i32 to index
      %get3A_208 = arith.constant 144 : index
      %get3A_209 = tpu.vector_load %arg7[%get3A_207, %get3A_208] {strides = array<i32>} : memref<256x256xf32, #tpu.memory_space<vmem>>, vector<1x16xf32>,
      %get3A_210 = vector.shape_cast %get3A_209 : vector<1x16xf32> to vector<16xf32>
      %get3A_211 = arith.index_cast %scan3A_72 : i32 to index
      %get3A_212 = arith.constant 144 : index
      %get3A_213 = tpu.vector_load %arg8[%get3A_211, %get3A_212] {strides = array<i32>} : memref<64x256xf32, #tpu.memory_space<vmem>>, vector<1x16xf32>,
      %get3A_214 = vector.shape_cast %get3A_213 : vector<1x16xf32> to vector<16xf32>
      %sub3A_215 = arith.subf %get3A_210, %get3A_214 : vector<16xf32>
      %add3A_216 = arith.addf %get3A_214, %sub3A_215 : vector<16xf32>
      %swap3A_217 = arith.index_cast %add3A_74 : i32 to index
      %swap3A_218 = arith.constant 144 : index
      %swap3A_219 = tpu.vector_load %arg7[%swap3A_217, %swap3A_218] {strides = array<i32>} : memref<256x256xf32, #tpu.memory_space<vmem>>, vector<1x16xf32>,
      %swap3A_220 = vector.shape_cast %swap3A_219 : vector<1x16xf32> to vector<16xf32>
      %swap3A_221 = vector.shape_cast %add3A_216 : vector<16xf32> to vector<1x16xf32>
      tpu.vector_store %arg7[%swap3A_217, %swap3A_218], %swap3A_221 {strides = array<i32>} : memref<256x256xf32, #tpu.memory_space<vmem>>, vector<1x16xf32>,
      %get3A_222 = arith.index_cast %add3A_74 : i32 to index
      %get3A_223 = arith.constant 160 : index
      %get3A_224 = tpu.vector_load %arg7[%get3A_222, %get3A_223] {strides = array<i32>} : memref<256x256xf32, #tpu.memory_space<vmem>>, vector<1x16xf32>,
      %get3A_225 = vector.shape_cast %get3A_224 : vector<1x16xf32> to vector<16xf32>
      %get3A_226 = arith.index_cast %scan3A_72 : i32 to index
      %get3A_227 = arith.constant 160 : index
      %get3A_228 = tpu.vector_load %arg8[%get3A_226, %get3A_227] {strides = array<i32>} : memref<64x256xf32, #tpu.memory_space<vmem>>, vector<1x16xf32>,
      %get3A_229 = vector.shape_cast %get3A_228 : vector<1x16xf32> to vector<16xf32>
      %sub3A_230 = arith.subf %get3A_225, %get3A_229 : vector<16xf32>
      %add3A_231 = arith.addf %get3A_229, %sub3A_230 : vector<16xf32>
      %swap3A_232 = arith.index_cast %add3A_74 : i32 to index
      %swap3A_233 = arith.constant 160 : index
      %swap3A_234 = tpu.vector_load %arg7[%swap3A_232, %swap3A_233] {strides = array<i32>} : memref<256x256xf32, #tpu.memory_space<vmem>>, vector<1x16xf32>,
      %swap3A_235 = vector.shape_cast %swap3A_234 : vector<1x16xf32> to vector<16xf32>
      %swap3A_236 = vector.shape_cast %add3A_231 : vector<16xf32> to vector<1x16xf32>
      tpu.vector_store %arg7[%swap3A_232, %swap3A_233], %swap3A_236 {strides = array<i32>} : memref<256x256xf32, #tpu.memory_space<vmem>>, vector<1x16xf32>,
      %get3A_237 = arith.index_cast %add3A_74 : i32 to index
      %get3A_238 = arith.constant 176 : index
      %get3A_239 = tpu.vector_load %arg7[%get3A_237, %get3A_238] {strides = array<i32>} : memref<256x256xf32, #tpu.memory_space<vmem>>, vector<1x16xf32>,
      %get3A_240 = vector.shape_cast %get3A_239 : vector<1x16xf32> to vector<16xf32>
      %get3A_241 = arith.index_cast %scan3A_72 : i32 to index
      %get3A_242 = arith.constant 176 : index
      %get3A_243 = tpu.vector_load %arg8[%get3A_241, %get3A_242] {strides = array<i32>} : memref<64x256xf32, #tpu.memory_space<vmem>>, vector<1x16xf32>,
      %get3A_244 = vector.shape_cast %get3A_243 : vector<1x16xf32> to vector<16xf32>
      %sub3A_245 = arith.subf %get3A_240, %get3A_244 : vector<16xf32>
      %add3A_246 = arith.addf %get3A_244, %sub3A_245 : vector<16xf32>
      %swap3A_247 = arith.index_cast %add3A_74 : i32 to index
      %swap3A_248 = arith.constant 176 : index
      %swap3A_249 = tpu.vector_load %arg7[%swap3A_247, %swap3A_248] {strides = array<i32>} : memref<256x256xf32, #tpu.memory_space<vmem>>, vector<1x16xf32>,
      %swap3A_250 = vector.shape_cast %swap3A_249 : vector<1x16xf32> to vector<16xf32>
      %swap3A_251 = vector.shape_cast %add3A_246 : vector<16xf32> to vector<1x16xf32>
      tpu.vector_store %arg7[%swap3A_247, %swap3A_248], %swap3A_251 {strides = array<i32>} : memref<256x256xf32, #tpu.memory_space<vmem>>, vector<1x16xf32>,
      %get3A_252 = arith.index_cast %add3A_74 : i32 to index
      %get3A_253 = arith.constant 192 : index
      %get3A_254 = tpu.vector_load %arg7[%get3A_252, %get3A_253] {strides = array<i32>} : memref<256x256xf32, #tpu.memory_space<vmem>>, vector<1x16xf32>,
      %get3A_255 = vector.shape_cast %get3A_254 : vector<1x16xf32> to vector<16xf32>
      %get3A_256 = arith.index_cast %scan3A_72 : i32 to index
      %get3A_257 = arith.constant 192 : index
      %get3A_258 = tpu.vector_load %arg8[%get3A_256, %get3A_257] {strides = array<i32>} : memref<64x256xf32, #tpu.memory_space<vmem>>, vector<1x16xf32>,
      %get3A_259 = vector.shape_cast %get3A_258 : vector<1x16xf32> to vector<16xf32>
      %sub3A_260 = arith.subf %get3A_255, %get3A_259 : vector<16xf32>
      %add3A_261 = arith.addf %get3A_259, %sub3A_260 : vector<16xf32>
      %swap3A_262 = arith.index_cast %add3A_74 : i32 to index
      %swap3A_263 = arith.constant 192 : index
      %swap3A_264 = tpu.vector_load %arg7[%swap3A_262, %swap3A_263] {strides = array<i32>} : memref<256x256xf32, #tpu.memory_space<vmem>>, vector<1x16xf32>,
      %swap3A_265 = vector.shape_cast %swap3A_264 : vector<1x16xf32> to vector<16xf32>
      %swap3A_266 = vector.shape_cast %add3A_261 : vector<16xf32> to vector<1x16xf32>
      tpu.vector_store %arg7[%swap3A_262, %swap3A_263], %swap3A_266 {strides = array<i32>} : memref<256x256xf32, #tpu.memory_space<vmem>>, vector<1x16xf32>,
      %get3A_267 = arith.index_cast %add3A_74 : i32 to index
      %get3A_268 = arith.constant 208 : index
      %get3A_269 = tpu.vector_load %arg7[%get3A_267, %get3A_268] {strides = array<i32>} : memref<256x256xf32, #tpu.memory_space<vmem>>, vector<1x16xf32>,
      %get3A_270 = vector.shape_cast %get3A_269 : vector<1x16xf32> to vector<16xf32>
      %get3A_271 = arith.index_cast %scan3A_72 : i32 to index
      %get3A_272 = arith.constant 208 : index
      %get3A_273 = tpu.vector_load %arg8[%get3A_271, %get3A_272] {strides = array<i32>} : memref<64x256xf32, #tpu.memory_space<vmem>>, vector<1x16xf32>,
      %get3A_274 = vector.shape_cast %get3A_273 : vector<1x16xf32> to vector<16xf32>
      %sub3A_275 = arith.subf %get3A_270, %get3A_274 : vector<16xf32>
      %add3A_276 = arith.addf %get3A_274, %sub3A_275 : vector<16xf32>
      %swap3A_277 = arith.index_cast %add3A_74 : i32 to index
      %swap3A_278 = arith.constant 208 : index
      %swap3A_279 = tpu.vector_load %arg7[%swap3A_277, %swap3A_278] {strides = array<i32>} : memref<256x256xf32, #tpu.memory_space<vmem>>, vector<1x16xf32>,
      %swap3A_280 = vector.shape_cast %swap3A_279 : vector<1x16xf32> to vector<16xf32>
      %swap3A_281 = vector.shape_cast %add3A_276 : vector<16xf32> to vector<1x16xf32>
      tpu.vector_store %arg7[%swap3A_277, %swap3A_278], %swap3A_281 {strides = array<i32>} : memref<256x256xf32, #tpu.memory_space<vmem>>, vector<1x16xf32>,
      %get3A_282 = arith.index_cast %add3A_74 : i32 to index
      %get3A_283 = arith.constant 224 : index
      %get3A_284 = tpu.vector_load %arg7[%get3A_282, %get3A_283] {strides = array<i32>} : memref<256x256xf32, #tpu.memory_space<vmem>>, vector<1x16xf32>,
      %get3A_285 = vector.shape_cast %get3A_284 : vector<1x16xf32> to vector<16xf32>
      %get3A_286 = arith.index_cast %scan3A_72 : i32 to index
      %get3A_287 = arith.constant 224 : index
      %get3A_288 = tpu.vector_load %arg8[%get3A_286, %get3A_287] {strides = array<i32>} : memref<64x256xf32, #tpu.memory_space<vmem>>, vector<1x16xf32>,
      %get3A_289 = vector.shape_cast %get3A_288 : vector<1x16xf32> to vector<16xf32>
      %sub3A_290 = arith.subf %get3A_285, %get3A_289 : vector<16xf32>
      %add3A_291 = arith.addf %get3A_289, %sub3A_290 : vector<16xf32>
      %swap3A_292 = arith.index_cast %add3A_74 : i32 to index
      %swap3A_293 = arith.constant 224 : index
      %swap3A_294 = tpu.vector_load %arg7[%swap3A_292, %swap3A_293] {strides = array<i32>} : memref<256x256xf32, #tpu.memory_space<vmem>>, vector<1x16xf32>,
      %swap3A_295 = vector.shape_cast %swap3A_294 : vector<1x16xf32> to vector<16xf32>
      %swap3A_296 = vector.shape_cast %add3A_291 : vector<16xf32> to vector<1x16xf32>
      tpu.vector_store %arg7[%swap3A_292, %swap3A_293], %swap3A_296 {strides = array<i32>} : memref<256x256xf32, #tpu.memory_space<vmem>>, vector<1x16xf32>,
      %get3A_297 = arith.index_cast %add3A_74 : i32 to index
      %get3A_298 = arith.constant 240 : index
      %get3A_299 = tpu.vector_load %arg7[%get3A_297, %get3A_298] {strides = array<i32>} : memref<256x256xf32, #tpu.memory_space<vmem>>, vector<1x16xf32>,
      %get3A_300 = vector.shape_cast %get3A_299 : vector<1x16xf32> to vector<16xf32>
      %get3A_301 = arith.index_cast %scan3A_72 : i32 to index
      %get3A_302 = arith.constant 240 : index
      %get3A_303 = tpu.vector_load %arg8[%get3A_301, %get3A_302] {strides = array<i32>} : memref<64x256xf32, #tpu.memory_space<vmem>>, vector<1x16xf32>,
      %get3A_304 = vector.shape_cast %get3A_303 : vector<1x16xf32> to vector<16xf32>
      %sub3A_305 = arith.subf %get3A_300, %get3A_304 : vector<16xf32>
      %add3A_306 = arith.addf %get3A_304, %sub3A_305 : vector<16xf32>
      %swap3A_307 = arith.index_cast %add3A_74 : i32 to index
      %swap3A_308 = arith.constant 240 : index
      %swap3A_309 = tpu.vector_load %arg7[%swap3A_307, %swap3A_308] {strides = array<i32>} : memref<256x256xf32, #tpu.memory_space<vmem>>, vector<1x16xf32>,
      %swap3A_310 = vector.shape_cast %swap3A_309 : vector<1x16xf32> to vector<16xf32>
      %swap3A_311 = vector.shape_cast %add3A_306 : vector<16xf32> to vector<1x16xf32>
      tpu.vector_store %arg7[%swap3A_307, %swap3A_308], %swap3A_311 {strides = array<i32>} : memref<256x256xf32, #tpu.memory_space<vmem>>, vector<1x16xf32>,
    }
    %scan3A_47 = arith.constant 64 : i32
    %add3A_48 = arith.constant 64 : i32
    %add3A_49 = arith.addi %mul3A_2, %add3A_48 : i32
    "tpu.region"() ({
      %run_scoped3A = tpu.sem_alloc : memref<!tpu.dma_semaphore, #tpu.memory_space<semaphore_mem>>
      %dma_start3A_72 = arith.constant 0 : i32
      %dma_start3A_73 = tpu.memref_slice %arg4[%add3A_49, %dma_start3A_72] : memref<8192x256xf32, #tpu.memory_space<hbm>> -> memref<64x256xf32, #tpu.memory_space<hbm>>
      %dma_start3A_74 = arith.constant 0 : i32
      %dma_start3A_75 = tpu.memref_slice %arg4[%add3A_49, %dma_start3A_74] : memref<8192x256xf32, #tpu.memory_space<hbm>> -> memref<64x256xf32, #tpu.memory_space<hbm>>
      tpu.enqueue_dma source(%dma_start3A_75 : memref<64x256xf32, #tpu.memory_space<hbm>>) target(%arg8 : memref<64x256xf32, #tpu.memory_space<vmem>>) target_semaphore(%run_scoped3A : memref<!tpu.dma_semaphore, #tpu.memory_space<semaphore_mem>>)
      %dma_wait3A_76 = arith.constant 0 : i32
      %dma_wait3A_77 = tpu.memref_slice %arg4[%add3A_49, %dma_wait3A_76] : memref<8192x256xf32, #tpu.memory_space<hbm>> -> memref<64x256xf32, #tpu.memory_space<hbm>>
      %dma_wait3A_78 = arith.constant 0 : i32
      %dma_wait3A_79 = tpu.memref_slice %arg4[%add3A_49, %dma_wait3A_78] : memref<8192x256xf32, #tpu.memory_space<hbm>> -> memref<64x256xf32, #tpu.memory_space<hbm>>
      tpu.wait_dma2 semaphore(%run_scoped3A : memref<!tpu.dma_semaphore, #tpu.memory_space<semaphore_mem>>) src(%dma_wait3A_79 : memref<64x256xf32, #tpu.memory_space<hbm>>) dst(%arg8 : memref<64x256xf32, #tpu.memory_space<vmem>>)
      tpu.yield
    }) : () -> ()
    %scan3A_50 = arith.constant 0 : i32
    %scan3A_51 = arith.constant 0 : i32
    %scan3A_52 = arith.constant 64 : i32
    %scan3A_53 = arith.addi %scan3A_51, %scan3A_52 : i32
    %scan3A_54 = arith.constant 1 : i32
    scf.for %scan3A_72 = %scan3A_51 to %scan3A_53 step %scan3A_54  : i32 {
      %add3A_73 = arith.constant 64 : i32
      %add3A_74 = arith.addi %add3A_73, %scan3A_72 : i32
      %get3A = arith.index_cast %add3A_74 : i32 to index
      %get3A_75 = arith.constant 0 : index
      %get3A_76 = tpu.vector_load %arg7[%get3A, %get3A_75] {strides = array<i32>} : memref<256x256xf32, #tpu.memory_space<vmem>>, vector<1x16xf32>,
      %get3A_77 = vector.shape_cast %get3A_76 : vector<1x16xf32> to vector<16xf32>
      %get3A_78 = arith.index_cast %scan3A_72 : i32 to index
      %get3A_79 = arith.constant 0 : index
      %get3A_80 = tpu.vector_load %arg8[%get3A_78, %get3A_79] {strides = array<i32>} : memref<64x256xf32, #tpu.memory_space<vmem>>, vector<1x16xf32>,
      %get3A_81 = vector.shape_cast %get3A_80 : vector<1x16xf32> to vector<16xf32>
      %sub3A = arith.subf %get3A_77, %get3A_81 : vector<16xf32>
      %add3A_82 = arith.addf %get3A_81, %sub3A : vector<16xf32>
      %swap3A = arith.index_cast %add3A_74 : i32 to index
      %swap3A_83 = arith.constant 0 : index
      %swap3A_84 = tpu.vector_load %arg7[%swap3A, %swap3A_83] {strides = array<i32>} : memref<256x256xf32, #tpu.memory_space<vmem>>, vector<1x16xf32>,
      %swap3A_85 = vector.shape_cast %swap3A_84 : vector<1x16xf32> to vector<16xf32>
      %swap3A_86 = vector.shape_cast %add3A_82 : vector<16xf32> to vector<1x16xf32>
      tpu.vector_store %arg7[%swap3A, %swap3A_83], %swap3A_86 {strides = array<i32>} : memref<256x256xf32, #tpu.memory_space<vmem>>, vector<1x16xf32>,
      %get3A_87 = arith.index_cast %add3A_74 : i32 to index
      %get3A_88 = arith.constant 16 : index
      %get3A_89 = tpu.vector_load %arg7[%get3A_87, %get3A_88] {strides = array<i32>} : memref<256x256xf32, #tpu.memory_space<vmem>>, vector<1x16xf32>,
      %get3A_90 = vector.shape_cast %get3A_89 : vector<1x16xf32> to vector<16xf32>
      %get3A_91 = arith.index_cast %scan3A_72 : i32 to index
      %get3A_92 = arith.constant 16 : index
      %get3A_93 = tpu.vector_load %arg8[%get3A_91, %get3A_92] {strides = array<i32>} : memref<64x256xf32, #tpu.memory_space<vmem>>, vector<1x16xf32>,
      %get3A_94 = vector.shape_cast %get3A_93 : vector<1x16xf32> to vector<16xf32>
      %sub3A_95 = arith.subf %get3A_90, %get3A_94 : vector<16xf32>
      %add3A_96 = arith.addf %get3A_94, %sub3A_95 : vector<16xf32>
      %swap3A_97 = arith.index_cast %add3A_74 : i32 to index
      %swap3A_98 = arith.constant 16 : index
      %swap3A_99 = tpu.vector_load %arg7[%swap3A_97, %swap3A_98] {strides = array<i32>} : memref<256x256xf32, #tpu.memory_space<vmem>>, vector<1x16xf32>,
      %swap3A_100 = vector.shape_cast %swap3A_99 : vector<1x16xf32> to vector<16xf32>
      %swap3A_101 = vector.shape_cast %add3A_96 : vector<16xf32> to vector<1x16xf32>
      tpu.vector_store %arg7[%swap3A_97, %swap3A_98], %swap3A_101 {strides = array<i32>} : memref<256x256xf32, #tpu.memory_space<vmem>>, vector<1x16xf32>,
      %get3A_102 = arith.index_cast %add3A_74 : i32 to index
      %get3A_103 = arith.constant 32 : index
      %get3A_104 = tpu.vector_load %arg7[%get3A_102, %get3A_103] {strides = array<i32>} : memref<256x256xf32, #tpu.memory_space<vmem>>, vector<1x16xf32>,
      %get3A_105 = vector.shape_cast %get3A_104 : vector<1x16xf32> to vector<16xf32>
      %get3A_106 = arith.index_cast %scan3A_72 : i32 to index
      %get3A_107 = arith.constant 32 : index
      %get3A_108 = tpu.vector_load %arg8[%get3A_106, %get3A_107] {strides = array<i32>} : memref<64x256xf32, #tpu.memory_space<vmem>>, vector<1x16xf32>,
      %get3A_109 = vector.shape_cast %get3A_108 : vector<1x16xf32> to vector<16xf32>
      %sub3A_110 = arith.subf %get3A_105, %get3A_109 : vector<16xf32>
      %add3A_111 = arith.addf %get3A_109, %sub3A_110 : vector<16xf32>
      %swap3A_112 = arith.index_cast %add3A_74 : i32 to index
      %swap3A_113 = arith.constant 32 : index
      %swap3A_114 = tpu.vector_load %arg7[%swap3A_112, %swap3A_113] {strides = array<i32>} : memref<256x256xf32, #tpu.memory_space<vmem>>, vector<1x16xf32>,
      %swap3A_115 = vector.shape_cast %swap3A_114 : vector<1x16xf32> to vector<16xf32>
      %swap3A_116 = vector.shape_cast %add3A_111 : vector<16xf32> to vector<1x16xf32>
      tpu.vector_store %arg7[%swap3A_112, %swap3A_113], %swap3A_116 {strides = array<i32>} : memref<256x256xf32, #tpu.memory_space<vmem>>, vector<1x16xf32>,
      %get3A_117 = arith.index_cast %add3A_74 : i32 to index
      %get3A_118 = arith.constant 48 : index
      %get3A_119 = tpu.vector_load %arg7[%get3A_117, %get3A_118] {strides = array<i32>} : memref<256x256xf32, #tpu.memory_space<vmem>>, vector<1x16xf32>,
      %get3A_120 = vector.shape_cast %get3A_119 : vector<1x16xf32> to vector<16xf32>
      %get3A_121 = arith.index_cast %scan3A_72 : i32 to index
      %get3A_122 = arith.constant 48 : index
      %get3A_123 = tpu.vector_load %arg8[%get3A_121, %get3A_122] {strides = array<i32>} : memref<64x256xf32, #tpu.memory_space<vmem>>, vector<1x16xf32>,
      %get3A_124 = vector.shape_cast %get3A_123 : vector<1x16xf32> to vector<16xf32>
      %sub3A_125 = arith.subf %get3A_120, %get3A_124 : vector<16xf32>
      %add3A_126 = arith.addf %get3A_124, %sub3A_125 : vector<16xf32>
      %swap3A_127 = arith.index_cast %add3A_74 : i32 to index
      %swap3A_128 = arith.constant 48 : index
      %swap3A_129 = tpu.vector_load %arg7[%swap3A_127, %swap3A_128] {strides = array<i32>} : memref<256x256xf32, #tpu.memory_space<vmem>>, vector<1x16xf32>,
      %swap3A_130 = vector.shape_cast %swap3A_129 : vector<1x16xf32> to vector<16xf32>
      %swap3A_131 = vector.shape_cast %add3A_126 : vector<16xf32> to vector<1x16xf32>
      tpu.vector_store %arg7[%swap3A_127, %swap3A_128], %swap3A_131 {strides = array<i32>} : memref<256x256xf32, #tpu.memory_space<vmem>>, vector<1x16xf32>,
      %get3A_132 = arith.index_cast %add3A_74 : i32 to index
      %get3A_133 = arith.constant 64 : index
      %get3A_134 = tpu.vector_load %arg7[%get3A_132, %get3A_133] {strides = array<i32>} : memref<256x256xf32, #tpu.memory_space<vmem>>, vector<1x16xf32>,
      %get3A_135 = vector.shape_cast %get3A_134 : vector<1x16xf32> to vector<16xf32>
      %get3A_136 = arith.index_cast %scan3A_72 : i32 to index
      %get3A_137 = arith.constant 64 : index
      %get3A_138 = tpu.vector_load %arg8[%get3A_136, %get3A_137] {strides = array<i32>} : memref<64x256xf32, #tpu.memory_space<vmem>>, vector<1x16xf32>,
      %get3A_139 = vector.shape_cast %get3A_138 : vector<1x16xf32> to vector<16xf32>
      %sub3A_140 = arith.subf %get3A_135, %get3A_139 : vector<16xf32>
      %add3A_141 = arith.addf %get3A_139, %sub3A_140 : vector<16xf32>
      %swap3A_142 = arith.index_cast %add3A_74 : i32 to index
      %swap3A_143 = arith.constant 64 : index
      %swap3A_144 = tpu.vector_load %arg7[%swap3A_142, %swap3A_143] {strides = array<i32>} : memref<256x256xf32, #tpu.memory_space<vmem>>, vector<1x16xf32>,
      %swap3A_145 = vector.shape_cast %swap3A_144 : vector<1x16xf32> to vector<16xf32>
      %swap3A_146 = vector.shape_cast %add3A_141 : vector<16xf32> to vector<1x16xf32>
      tpu.vector_store %arg7[%swap3A_142, %swap3A_143], %swap3A_146 {strides = array<i32>} : memref<256x256xf32, #tpu.memory_space<vmem>>, vector<1x16xf32>,
      %get3A_147 = arith.index_cast %add3A_74 : i32 to index
      %get3A_148 = arith.constant 80 : index
      %get3A_149 = tpu.vector_load %arg7[%get3A_147, %get3A_148] {strides = array<i32>} : memref<256x256xf32, #tpu.memory_space<vmem>>, vector<1x16xf32>,
      %get3A_150 = vector.shape_cast %get3A_149 : vector<1x16xf32> to vector<16xf32>
      %get3A_151 = arith.index_cast %scan3A_72 : i32 to index
      %get3A_152 = arith.constant 80 : index
      %get3A_153 = tpu.vector_load %arg8[%get3A_151, %get3A_152] {strides = array<i32>} : memref<64x256xf32, #tpu.memory_space<vmem>>, vector<1x16xf32>,
      %get3A_154 = vector.shape_cast %get3A_153 : vector<1x16xf32> to vector<16xf32>
      %sub3A_155 = arith.subf %get3A_150, %get3A_154 : vector<16xf32>
      %add3A_156 = arith.addf %get3A_154, %sub3A_155 : vector<16xf32>
      %swap3A_157 = arith.index_cast %add3A_74 : i32 to index
      %swap3A_158 = arith.constant 80 : index
      %swap3A_159 = tpu.vector_load %arg7[%swap3A_157, %swap3A_158] {strides = array<i32>} : memref<256x256xf32, #tpu.memory_space<vmem>>, vector<1x16xf32>,
      %swap3A_160 = vector.shape_cast %swap3A_159 : vector<1x16xf32> to vector<16xf32>
      %swap3A_161 = vector.shape_cast %add3A_156 : vector<16xf32> to vector<1x16xf32>
      tpu.vector_store %arg7[%swap3A_157, %swap3A_158], %swap3A_161 {strides = array<i32>} : memref<256x256xf32, #tpu.memory_space<vmem>>, vector<1x16xf32>,
      %get3A_162 = arith.index_cast %add3A_74 : i32 to index
      %get3A_163 = arith.constant 96 : index
      %get3A_164 = tpu.vector_load %arg7[%get3A_162, %get3A_163] {strides = array<i32>} : memref<256x256xf32, #tpu.memory_space<vmem>>, vector<1x16xf32>,
      %get3A_165 = vector.shape_cast %get3A_164 : vector<1x16xf32> to vector<16xf32>
      %get3A_166 = arith.index_cast %scan3A_72 : i32 to index
      %get3A_167 = arith.constant 96 : index
      %get3A_168 = tpu.vector_load %arg8[%get3A_166, %get3A_167] {strides = array<i32>} : memref<64x256xf32, #tpu.memory_space<vmem>>, vector<1x16xf32>,
      %get3A_169 = vector.shape_cast %get3A_168 : vector<1x16xf32> to vector<16xf32>
      %sub3A_170 = arith.subf %get3A_165, %get3A_169 : vector<16xf32>
      %add3A_171 = arith.addf %get3A_169, %sub3A_170 : vector<16xf32>
      %swap3A_172 = arith.index_cast %add3A_74 : i32 to index
      %swap3A_173 = arith.constant 96 : index
      %swap3A_174 = tpu.vector_load %arg7[%swap3A_172, %swap3A_173] {strides = array<i32>} : memref<256x256xf32, #tpu.memory_space<vmem>>, vector<1x16xf32>,
      %swap3A_175 = vector.shape_cast %swap3A_174 : vector<1x16xf32> to vector<16xf32>
      %swap3A_176 = vector.shape_cast %add3A_171 : vector<16xf32> to vector<1x16xf32>
      tpu.vector_store %arg7[%swap3A_172, %swap3A_173], %swap3A_176 {strides = array<i32>} : memref<256x256xf32, #tpu.memory_space<vmem>>, vector<1x16xf32>,
      %get3A_177 = arith.index_cast %add3A_74 : i32 to index
      %get3A_178 = arith.constant 112 : index
      %get3A_179 = tpu.vector_load %arg7[%get3A_177, %get3A_178] {strides = array<i32>} : memref<256x256xf32, #tpu.memory_space<vmem>>, vector<1x16xf32>,
      %get3A_180 = vector.shape_cast %get3A_179 : vector<1x16xf32> to vector<16xf32>
      %get3A_181 = arith.index_cast %scan3A_72 : i32 to index
      %get3A_182 = arith.constant 112 : index
      %get3A_183 = tpu.vector_load %arg8[%get3A_181, %get3A_182] {strides = array<i32>} : memref<64x256xf32, #tpu.memory_space<vmem>>, vector<1x16xf32>,
      %get3A_184 = vector.shape_cast %get3A_183 : vector<1x16xf32> to vector<16xf32>
      %sub3A_185 = arith.subf %get3A_180, %get3A_184 : vector<16xf32>
      %add3A_186 = arith.addf %get3A_184, %sub3A_185 : vector<16xf32>
      %swap3A_187 = arith.index_cast %add3A_74 : i32 to index
      %swap3A_188 = arith.constant 112 : index
      %swap3A_189 = tpu.vector_load %arg7[%swap3A_187, %swap3A_188] {strides = array<i32>} : memref<256x256xf32, #tpu.memory_space<vmem>>, vector<1x16xf32>,
      %swap3A_190 = vector.shape_cast %swap3A_189 : vector<1x16xf32> to vector<16xf32>
      %swap3A_191 = vector.shape_cast %add3A_186 : vector<16xf32> to vector<1x16xf32>
      tpu.vector_store %arg7[%swap3A_187, %swap3A_188], %swap3A_191 {strides = array<i32>} : memref<256x256xf32, #tpu.memory_space<vmem>>, vector<1x16xf32>,
      %get3A_192 = arith.index_cast %add3A_74 : i32 to index
      %get3A_193 = arith.constant 128 : index
      %get3A_194 = tpu.vector_load %arg7[%get3A_192, %get3A_193] {strides = array<i32>} : memref<256x256xf32, #tpu.memory_space<vmem>>, vector<1x16xf32>,
      %get3A_195 = vector.shape_cast %get3A_194 : vector<1x16xf32> to vector<16xf32>
      %get3A_196 = arith.index_cast %scan3A_72 : i32 to index
      %get3A_197 = arith.constant 128 : index
      %get3A_198 = tpu.vector_load %arg8[%get3A_196, %get3A_197] {strides = array<i32>} : memref<64x256xf32, #tpu.memory_space<vmem>>, vector<1x16xf32>,
      %get3A_199 = vector.shape_cast %get3A_198 : vector<1x16xf32> to vector<16xf32>
      %sub3A_200 = arith.subf %get3A_195, %get3A_199 : vector<16xf32>
      %add3A_201 = arith.addf %get3A_199, %sub3A_200 : vector<16xf32>
      %swap3A_202 = arith.index_cast %add3A_74 : i32 to index
      %swap3A_203 = arith.constant 128 : index
      %swap3A_204 = tpu.vector_load %arg7[%swap3A_202, %swap3A_203] {strides = array<i32>} : memref<256x256xf32, #tpu.memory_space<vmem>>, vector<1x16xf32>,
      %swap3A_205 = vector.shape_cast %swap3A_204 : vector<1x16xf32> to vector<16xf32>
      %swap3A_206 = vector.shape_cast %add3A_201 : vector<16xf32> to vector<1x16xf32>
      tpu.vector_store %arg7[%swap3A_202, %swap3A_203], %swap3A_206 {strides = array<i32>} : memref<256x256xf32, #tpu.memory_space<vmem>>, vector<1x16xf32>,
      %get3A_207 = arith.index_cast %add3A_74 : i32 to index
      %get3A_208 = arith.constant 144 : index
      %get3A_209 = tpu.vector_load %arg7[%get3A_207, %get3A_208] {strides = array<i32>} : memref<256x256xf32, #tpu.memory_space<vmem>>, vector<1x16xf32>,
      %get3A_210 = vector.shape_cast %get3A_209 : vector<1x16xf32> to vector<16xf32>
      %get3A_211 = arith.index_cast %scan3A_72 : i32 to index
      %get3A_212 = arith.constant 144 : index
      %get3A_213 = tpu.vector_load %arg8[%get3A_211, %get3A_212] {strides = array<i32>} : memref<64x256xf32, #tpu.memory_space<vmem>>, vector<1x16xf32>,
      %get3A_214 = vector.shape_cast %get3A_213 : vector<1x16xf32> to vector<16xf32>
      %sub3A_215 = arith.subf %get3A_210, %get3A_214 : vector<16xf32>
      %add3A_216 = arith.addf %get3A_214, %sub3A_215 : vector<16xf32>
      %swap3A_217 = arith.index_cast %add3A_74 : i32 to index
      %swap3A_218 = arith.constant 144 : index
      %swap3A_219 = tpu.vector_load %arg7[%swap3A_217, %swap3A_218] {strides = array<i32>} : memref<256x256xf32, #tpu.memory_space<vmem>>, vector<1x16xf32>,
      %swap3A_220 = vector.shape_cast %swap3A_219 : vector<1x16xf32> to vector<16xf32>
      %swap3A_221 = vector.shape_cast %add3A_216 : vector<16xf32> to vector<1x16xf32>
      tpu.vector_store %arg7[%swap3A_217, %swap3A_218], %swap3A_221 {strides = array<i32>} : memref<256x256xf32, #tpu.memory_space<vmem>>, vector<1x16xf32>,
      %get3A_222 = arith.index_cast %add3A_74 : i32 to index
      %get3A_223 = arith.constant 160 : index
      %get3A_224 = tpu.vector_load %arg7[%get3A_222, %get3A_223] {strides = array<i32>} : memref<256x256xf32, #tpu.memory_space<vmem>>, vector<1x16xf32>,
      %get3A_225 = vector.shape_cast %get3A_224 : vector<1x16xf32> to vector<16xf32>
      %get3A_226 = arith.index_cast %scan3A_72 : i32 to index
      %get3A_227 = arith.constant 160 : index
      %get3A_228 = tpu.vector_load %arg8[%get3A_226, %get3A_227] {strides = array<i32>} : memref<64x256xf32, #tpu.memory_space<vmem>>, vector<1x16xf32>,
      %get3A_229 = vector.shape_cast %get3A_228 : vector<1x16xf32> to vector<16xf32>
      %sub3A_230 = arith.subf %get3A_225, %get3A_229 : vector<16xf32>
      %add3A_231 = arith.addf %get3A_229, %sub3A_230 : vector<16xf32>
      %swap3A_232 = arith.index_cast %add3A_74 : i32 to index
      %swap3A_233 = arith.constant 160 : index
      %swap3A_234 = tpu.vector_load %arg7[%swap3A_232, %swap3A_233] {strides = array<i32>} : memref<256x256xf32, #tpu.memory_space<vmem>>, vector<1x16xf32>,
      %swap3A_235 = vector.shape_cast %swap3A_234 : vector<1x16xf32> to vector<16xf32>
      %swap3A_236 = vector.shape_cast %add3A_231 : vector<16xf32> to vector<1x16xf32>
      tpu.vector_store %arg7[%swap3A_232, %swap3A_233], %swap3A_236 {strides = array<i32>} : memref<256x256xf32, #tpu.memory_space<vmem>>, vector<1x16xf32>,
      %get3A_237 = arith.index_cast %add3A_74 : i32 to index
      %get3A_238 = arith.constant 176 : index
      %get3A_239 = tpu.vector_load %arg7[%get3A_237, %get3A_238] {strides = array<i32>} : memref<256x256xf32, #tpu.memory_space<vmem>>, vector<1x16xf32>,
      %get3A_240 = vector.shape_cast %get3A_239 : vector<1x16xf32> to vector<16xf32>
      %get3A_241 = arith.index_cast %scan3A_72 : i32 to index
      %get3A_242 = arith.constant 176 : index
      %get3A_243 = tpu.vector_load %arg8[%get3A_241, %get3A_242] {strides = array<i32>} : memref<64x256xf32, #tpu.memory_space<vmem>>, vector<1x16xf32>,
      %get3A_244 = vector.shape_cast %get3A_243 : vector<1x16xf32> to vector<16xf32>
      %sub3A_245 = arith.subf %get3A_240, %get3A_244 : vector<16xf32>
      %add3A_246 = arith.addf %get3A_244, %sub3A_245 : vector<16xf32>
      %swap3A_247 = arith.index_cast %add3A_74 : i32 to index
      %swap3A_248 = arith.constant 176 : index
      %swap3A_249 = tpu.vector_load %arg7[%swap3A_247, %swap3A_248] {strides = array<i32>} : memref<256x256xf32, #tpu.memory_space<vmem>>, vector<1x16xf32>,
      %swap3A_250 = vector.shape_cast %swap3A_249 : vector<1x16xf32> to vector<16xf32>
      %swap3A_251 = vector.shape_cast %add3A_246 : vector<16xf32> to vector<1x16xf32>
      tpu.vector_store %arg7[%swap3A_247, %swap3A_248], %swap3A_251 {strides = array<i32>} : memref<256x256xf32, #tpu.memory_space<vmem>>, vector<1x16xf32>,
      %get3A_252 = arith.index_cast %add3A_74 : i32 to index
      %get3A_253 = arith.constant 192 : index
      %get3A_254 = tpu.vector_load %arg7[%get3A_252, %get3A_253] {strides = array<i32>} : memref<256x256xf32, #tpu.memory_space<vmem>>, vector<1x16xf32>,
      %get3A_255 = vector.shape_cast %get3A_254 : vector<1x16xf32> to vector<16xf32>
      %get3A_256 = arith.index_cast %scan3A_72 : i32 to index
      %get3A_257 = arith.constant 192 : index
      %get3A_258 = tpu.vector_load %arg8[%get3A_256, %get3A_257] {strides = array<i32>} : memref<64x256xf32, #tpu.memory_space<vmem>>, vector<1x16xf32>,
      %get3A_259 = vector.shape_cast %get3A_258 : vector<1x16xf32> to vector<16xf32>
      %sub3A_260 = arith.subf %get3A_255, %get3A_259 : vector<16xf32>
      %add3A_261 = arith.addf %get3A_259, %sub3A_260 : vector<16xf32>
      %swap3A_262 = arith.index_cast %add3A_74 : i32 to index
      %swap3A_263 = arith.constant 192 : index
      %swap3A_264 = tpu.vector_load %arg7[%swap3A_262, %swap3A_263] {strides = array<i32>} : memref<256x256xf32, #tpu.memory_space<vmem>>, vector<1x16xf32>,
      %swap3A_265 = vector.shape_cast %swap3A_264 : vector<1x16xf32> to vector<16xf32>
      %swap3A_266 = vector.shape_cast %add3A_261 : vector<16xf32> to vector<1x16xf32>
      tpu.vector_store %arg7[%swap3A_262, %swap3A_263], %swap3A_266 {strides = array<i32>} : memref<256x256xf32, #tpu.memory_space<vmem>>, vector<1x16xf32>,
      %get3A_267 = arith.index_cast %add3A_74 : i32 to index
      %get3A_268 = arith.constant 208 : index
      %get3A_269 = tpu.vector_load %arg7[%get3A_267, %get3A_268] {strides = array<i32>} : memref<256x256xf32, #tpu.memory_space<vmem>>, vector<1x16xf32>,
      %get3A_270 = vector.shape_cast %get3A_269 : vector<1x16xf32> to vector<16xf32>
      %get3A_271 = arith.index_cast %scan3A_72 : i32 to index
      %get3A_272 = arith.constant 208 : index
      %get3A_273 = tpu.vector_load %arg8[%get3A_271, %get3A_272] {strides = array<i32>} : memref<64x256xf32, #tpu.memory_space<vmem>>, vector<1x16xf32>,
      %get3A_274 = vector.shape_cast %get3A_273 : vector<1x16xf32> to vector<16xf32>
      %sub3A_275 = arith.subf %get3A_270, %get3A_274 : vector<16xf32>
      %add3A_276 = arith.addf %get3A_274, %sub3A_275 : vector<16xf32>
      %swap3A_277 = arith.index_cast %add3A_74 : i32 to index
      %swap3A_278 = arith.constant 208 : index
      %swap3A_279 = tpu.vector_load %arg7[%swap3A_277, %swap3A_278] {strides = array<i32>} : memref<256x256xf32, #tpu.memory_space<vmem>>, vector<1x16xf32>,
      %swap3A_280 = vector.shape_cast %swap3A_279 : vector<1x16xf32> to vector<16xf32>
      %swap3A_281 = vector.shape_cast %add3A_276 : vector<16xf32> to vector<1x16xf32>
      tpu.vector_store %arg7[%swap3A_277, %swap3A_278], %swap3A_281 {strides = array<i32>} : memref<256x256xf32, #tpu.memory_space<vmem>>, vector<1x16xf32>,
      %get3A_282 = arith.index_cast %add3A_74 : i32 to index
      %get3A_283 = arith.constant 224 : index
      %get3A_284 = tpu.vector_load %arg7[%get3A_282, %get3A_283] {strides = array<i32>} : memref<256x256xf32, #tpu.memory_space<vmem>>, vector<1x16xf32>,
      %get3A_285 = vector.shape_cast %get3A_284 : vector<1x16xf32> to vector<16xf32>
      %get3A_286 = arith.index_cast %scan3A_72 : i32 to index
      %get3A_287 = arith.constant 224 : index
      %get3A_288 = tpu.vector_load %arg8[%get3A_286, %get3A_287] {strides = array<i32>} : memref<64x256xf32, #tpu.memory_space<vmem>>, vector<1x16xf32>,
      %get3A_289 = vector.shape_cast %get3A_288 : vector<1x16xf32> to vector<16xf32>
      %sub3A_290 = arith.subf %get3A_285, %get3A_289 : vector<16xf32>
      %add3A_291 = arith.addf %get3A_289, %sub3A_290 : vector<16xf32>
      %swap3A_292 = arith.index_cast %add3A_74 : i32 to index
      %swap3A_293 = arith.constant 224 : index
      %swap3A_294 = tpu.vector_load %arg7[%swap3A_292, %swap3A_293] {strides = array<i32>} : memref<256x256xf32, #tpu.memory_space<vmem>>, vector<1x16xf32>,
      %swap3A_295 = vector.shape_cast %swap3A_294 : vector<1x16xf32> to vector<16xf32>
      %swap3A_296 = vector.shape_cast %add3A_291 : vector<16xf32> to vector<1x16xf32>
      tpu.vector_store %arg7[%swap3A_292, %swap3A_293], %swap3A_296 {strides = array<i32>} : memref<256x256xf32, #tpu.memory_space<vmem>>, vector<1x16xf32>,
      %get3A_297 = arith.index_cast %add3A_74 : i32 to index
      %get3A_298 = arith.constant 240 : index
      %get3A_299 = tpu.vector_load %arg7[%get3A_297, %get3A_298] {strides = array<i32>} : memref<256x256xf32, #tpu.memory_space<vmem>>, vector<1x16xf32>,
      %get3A_300 = vector.shape_cast %get3A_299 : vector<1x16xf32> to vector<16xf32>
      %get3A_301 = arith.index_cast %scan3A_72 : i32 to index
      %get3A_302 = arith.constant 240 : index
      %get3A_303 = tpu.vector_load %arg8[%get3A_301, %get3A_302] {strides = array<i32>} : memref<64x256xf32, #tpu.memory_space<vmem>>, vector<1x16xf32>,
      %get3A_304 = vector.shape_cast %get3A_303 : vector<1x16xf32> to vector<16xf32>
      %sub3A_305 = arith.subf %get3A_300, %get3A_304 : vector<16xf32>
      %add3A_306 = arith.addf %get3A_304, %sub3A_305 : vector<16xf32>
      %swap3A_307 = arith.index_cast %add3A_74 : i32 to index
      %swap3A_308 = arith.constant 240 : index
      %swap3A_309 = tpu.vector_load %arg7[%swap3A_307, %swap3A_308] {strides = array<i32>} : memref<256x256xf32, #tpu.memory_space<vmem>>, vector<1x16xf32>,
      %swap3A_310 = vector.shape_cast %swap3A_309 : vector<1x16xf32> to vector<16xf32>
      %swap3A_311 = vector.shape_cast %add3A_306 : vector<16xf32> to vector<1x16xf32>
      tpu.vector_store %arg7[%swap3A_307, %swap3A_308], %swap3A_311 {strides = array<i32>} : memref<256x256xf32, #tpu.memory_space<vmem>>, vector<1x16xf32>,
    }
    %scan3A_55 = arith.constant 64 : i32
    %add3A_56 = arith.constant 128 : i32
    %add3A_57 = arith.addi %mul3A_2, %add3A_56 : i32
    "tpu.region"() ({
      %run_scoped3A = tpu.sem_alloc : memref<!tpu.dma_semaphore, #tpu.memory_space<semaphore_mem>>
      %dma_start3A_72 = arith.constant 0 : i32
      %dma_start3A_73 = tpu.memref_slice %arg4[%add3A_57, %dma_start3A_72] : memref<8192x256xf32, #tpu.memory_space<hbm>> -> memref<64x256xf32, #tpu.memory_space<hbm>>
      %dma_start3A_74 = arith.constant 0 : i32
      %dma_start3A_75 = tpu.memref_slice %arg4[%add3A_57, %dma_start3A_74] : memref<8192x256xf32, #tpu.memory_space<hbm>> -> memref<64x256xf32, #tpu.memory_space<hbm>>
      tpu.enqueue_dma source(%dma_start3A_75 : memref<64x256xf32, #tpu.memory_space<hbm>>) target(%arg8 : memref<64x256xf32, #tpu.memory_space<vmem>>) target_semaphore(%run_scoped3A : memref<!tpu.dma_semaphore, #tpu.memory_space<semaphore_mem>>)
      %dma_wait3A_76 = arith.constant 0 : i32
      %dma_wait3A_77 = tpu.memref_slice %arg4[%add3A_57, %dma_wait3A_76] : memref<8192x256xf32, #tpu.memory_space<hbm>> -> memref<64x256xf32, #tpu.memory_space<hbm>>
      %dma_wait3A_78 = arith.constant 0 : i32
      %dma_wait3A_79 = tpu.memref_slice %arg4[%add3A_57, %dma_wait3A_78] : memref<8192x256xf32, #tpu.memory_space<hbm>> -> memref<64x256xf32, #tpu.memory_space<hbm>>
      tpu.wait_dma2 semaphore(%run_scoped3A : memref<!tpu.dma_semaphore, #tpu.memory_space<semaphore_mem>>) src(%dma_wait3A_79 : memref<64x256xf32, #tpu.memory_space<hbm>>) dst(%arg8 : memref<64x256xf32, #tpu.memory_space<vmem>>)
      tpu.yield
    }) : () -> ()
    %scan3A_58 = arith.constant 0 : i32
    %scan3A_59 = arith.constant 0 : i32
    %scan3A_60 = arith.constant 64 : i32
    %scan3A_61 = arith.addi %scan3A_59, %scan3A_60 : i32
    %scan3A_62 = arith.constant 1 : i32
    scf.for %scan3A_72 = %scan3A_59 to %scan3A_61 step %scan3A_62  : i32 {
      %add3A_73 = arith.constant 128 : i32
      %add3A_74 = arith.addi %add3A_73, %scan3A_72 : i32
      %get3A = arith.index_cast %add3A_74 : i32 to index
      %get3A_75 = arith.constant 0 : index
      %get3A_76 = tpu.vector_load %arg7[%get3A, %get3A_75] {strides = array<i32>} : memref<256x256xf32, #tpu.memory_space<vmem>>, vector<1x16xf32>,
      %get3A_77 = vector.shape_cast %get3A_76 : vector<1x16xf32> to vector<16xf32>
      %get3A_78 = arith.index_cast %scan3A_72 : i32 to index
      %get3A_79 = arith.constant 0 : index
      %get3A_80 = tpu.vector_load %arg8[%get3A_78, %get3A_79] {strides = array<i32>} : memref<64x256xf32, #tpu.memory_space<vmem>>, vector<1x16xf32>,
      %get3A_81 = vector.shape_cast %get3A_80 : vector<1x16xf32> to vector<16xf32>
      %sub3A = arith.subf %get3A_77, %get3A_81 : vector<16xf32>
      %add3A_82 = arith.addf %get3A_81, %sub3A : vector<16xf32>
      %swap3A = arith.index_cast %add3A_74 : i32 to index
      %swap3A_83 = arith.constant 0 : index
      %swap3A_84 = tpu.vector_load %arg7[%swap3A, %swap3A_83] {strides = array<i32>} : memref<256x256xf32, #tpu.memory_space<vmem>>, vector<1x16xf32>,
      %swap3A_85 = vector.shape_cast %swap3A_84 : vector<1x16xf32> to vector<16xf32>
      %swap3A_86 = vector.shape_cast %add3A_82 : vector<16xf32> to vector<1x16xf32>
      tpu.vector_store %arg7[%swap3A, %swap3A_83], %swap3A_86 {strides = array<i32>} : memref<256x256xf32, #tpu.memory_space<vmem>>, vector<1x16xf32>,
      %get3A_87 = arith.index_cast %add3A_74 : i32 to index
      %get3A_88 = arith.constant 16 : index
      %get3A_89 = tpu.vector_load %arg7[%get3A_87, %get3A_88] {strides = array<i32>} : memref<256x256xf32, #tpu.memory_space<vmem>>, vector<1x16xf32>,
      %get3A_90 = vector.shape_cast %get3A_89 : vector<1x16xf32> to vector<16xf32>
      %get3A_91 = arith.index_cast %scan3A_72 : i32 to index
      %get3A_92 = arith.constant 16 : index
      %get3A_93 = tpu.vector_load %arg8[%get3A_91, %get3A_92] {strides = array<i32>} : memref<64x256xf32, #tpu.memory_space<vmem>>, vector<1x16xf32>,
      %get3A_94 = vector.shape_cast %get3A_93 : vector<1x16xf32> to vector<16xf32>
      %sub3A_95 = arith.subf %get3A_90, %get3A_94 : vector<16xf32>
      %add3A_96 = arith.addf %get3A_94, %sub3A_95 : vector<16xf32>
      %swap3A_97 = arith.index_cast %add3A_74 : i32 to index
      %swap3A_98 = arith.constant 16 : index
      %swap3A_99 = tpu.vector_load %arg7[%swap3A_97, %swap3A_98] {strides = array<i32>} : memref<256x256xf32, #tpu.memory_space<vmem>>, vector<1x16xf32>,
      %swap3A_100 = vector.shape_cast %swap3A_99 : vector<1x16xf32> to vector<16xf32>
      %swap3A_101 = vector.shape_cast %add3A_96 : vector<16xf32> to vector<1x16xf32>
      tpu.vector_store %arg7[%swap3A_97, %swap3A_98], %swap3A_101 {strides = array<i32>} : memref<256x256xf32, #tpu.memory_space<vmem>>, vector<1x16xf32>,
      %get3A_102 = arith.index_cast %add3A_74 : i32 to index
      %get3A_103 = arith.constant 32 : index
      %get3A_104 = tpu.vector_load %arg7[%get3A_102, %get3A_103] {strides = array<i32>} : memref<256x256xf32, #tpu.memory_space<vmem>>, vector<1x16xf32>,
      %get3A_105 = vector.shape_cast %get3A_104 : vector<1x16xf32> to vector<16xf32>
      %get3A_106 = arith.index_cast %scan3A_72 : i32 to index
      %get3A_107 = arith.constant 32 : index
      %get3A_108 = tpu.vector_load %arg8[%get3A_106, %get3A_107] {strides = array<i32>} : memref<64x256xf32, #tpu.memory_space<vmem>>, vector<1x16xf32>,
      %get3A_109 = vector.shape_cast %get3A_108 : vector<1x16xf32> to vector<16xf32>
      %sub3A_110 = arith.subf %get3A_105, %get3A_109 : vector<16xf32>
      %add3A_111 = arith.addf %get3A_109, %sub3A_110 : vector<16xf32>
      %swap3A_112 = arith.index_cast %add3A_74 : i32 to index
      %swap3A_113 = arith.constant 32 : index
      %swap3A_114 = tpu.vector_load %arg7[%swap3A_112, %swap3A_113] {strides = array<i32>} : memref<256x256xf32, #tpu.memory_space<vmem>>, vector<1x16xf32>,
      %swap3A_115 = vector.shape_cast %swap3A_114 : vector<1x16xf32> to vector<16xf32>
      %swap3A_116 = vector.shape_cast %add3A_111 : vector<16xf32> to vector<1x16xf32>
      tpu.vector_store %arg7[%swap3A_112, %swap3A_113], %swap3A_116 {strides = array<i32>} : memref<256x256xf32, #tpu.memory_space<vmem>>, vector<1x16xf32>,
      %get3A_117 = arith.index_cast %add3A_74 : i32 to index
      %get3A_118 = arith.constant 48 : index
      %get3A_119 = tpu.vector_load %arg7[%get3A_117, %get3A_118] {strides = array<i32>} : memref<256x256xf32, #tpu.memory_space<vmem>>, vector<1x16xf32>,
      %get3A_120 = vector.shape_cast %get3A_119 : vector<1x16xf32> to vector<16xf32>
      %get3A_121 = arith.index_cast %scan3A_72 : i32 to index
      %get3A_122 = arith.constant 48 : index
      %get3A_123 = tpu.vector_load %arg8[%get3A_121, %get3A_122] {strides = array<i32>} : memref<64x256xf32, #tpu.memory_space<vmem>>, vector<1x16xf32>,
      %get3A_124 = vector.shape_cast %get3A_123 : vector<1x16xf32> to vector<16xf32>
      %sub3A_125 = arith.subf %get3A_120, %get3A_124 : vector<16xf32>
      %add3A_126 = arith.addf %get3A_124, %sub3A_125 : vector<16xf32>
      %swap3A_127 = arith.index_cast %add3A_74 : i32 to index
      %swap3A_128 = arith.constant 48 : index
      %swap3A_129 = tpu.vector_load %arg7[%swap3A_127, %swap3A_128] {strides = array<i32>} : memref<256x256xf32, #tpu.memory_space<vmem>>, vector<1x16xf32>,
      %swap3A_130 = vector.shape_cast %swap3A_129 : vector<1x16xf32> to vector<16xf32>
      %swap3A_131 = vector.shape_cast %add3A_126 : vector<16xf32> to vector<1x16xf32>
      tpu.vector_store %arg7[%swap3A_127, %swap3A_128], %swap3A_131 {strides = array<i32>} : memref<256x256xf32, #tpu.memory_space<vmem>>, vector<1x16xf32>,
      %get3A_132 = arith.index_cast %add3A_74 : i32 to index
      %get3A_133 = arith.constant 64 : index
      %get3A_134 = tpu.vector_load %arg7[%get3A_132, %get3A_133] {strides = array<i32>} : memref<256x256xf32, #tpu.memory_space<vmem>>, vector<1x16xf32>,
      %get3A_135 = vector.shape_cast %get3A_134 : vector<1x16xf32> to vector<16xf32>
      %get3A_136 = arith.index_cast %scan3A_72 : i32 to index
      %get3A_137 = arith.constant 64 : index
      %get3A_138 = tpu.vector_load %arg8[%get3A_136, %get3A_137] {strides = array<i32>} : memref<64x256xf32, #tpu.memory_space<vmem>>, vector<1x16xf32>,
      %get3A_139 = vector.shape_cast %get3A_138 : vector<1x16xf32> to vector<16xf32>
      %sub3A_140 = arith.subf %get3A_135, %get3A_139 : vector<16xf32>
      %add3A_141 = arith.addf %get3A_139, %sub3A_140 : vector<16xf32>
      %swap3A_142 = arith.index_cast %add3A_74 : i32 to index
      %swap3A_143 = arith.constant 64 : index
      %swap3A_144 = tpu.vector_load %arg7[%swap3A_142, %swap3A_143] {strides = array<i32>} : memref<256x256xf32, #tpu.memory_space<vmem>>, vector<1x16xf32>,
      %swap3A_145 = vector.shape_cast %swap3A_144 : vector<1x16xf32> to vector<16xf32>
      %swap3A_146 = vector.shape_cast %add3A_141 : vector<16xf32> to vector<1x16xf32>
      tpu.vector_store %arg7[%swap3A_142, %swap3A_143], %swap3A_146 {strides = array<i32>} : memref<256x256xf32, #tpu.memory_space<vmem>>, vector<1x16xf32>,
      %get3A_147 = arith.index_cast %add3A_74 : i32 to index
      %get3A_148 = arith.constant 80 : index
      %get3A_149 = tpu.vector_load %arg7[%get3A_147, %get3A_148] {strides = array<i32>} : memref<256x256xf32, #tpu.memory_space<vmem>>, vector<1x16xf32>,
      %get3A_150 = vector.shape_cast %get3A_149 : vector<1x16xf32> to vector<16xf32>
      %get3A_151 = arith.index_cast %scan3A_72 : i32 to index
      %get3A_152 = arith.constant 80 : index
      %get3A_153 = tpu.vector_load %arg8[%get3A_151, %get3A_152] {strides = array<i32>} : memref<64x256xf32, #tpu.memory_space<vmem>>, vector<1x16xf32>,
      %get3A_154 = vector.shape_cast %get3A_153 : vector<1x16xf32> to vector<16xf32>
      %sub3A_155 = arith.subf %get3A_150, %get3A_154 : vector<16xf32>
      %add3A_156 = arith.addf %get3A_154, %sub3A_155 : vector<16xf32>
      %swap3A_157 = arith.index_cast %add3A_74 : i32 to index
      %swap3A_158 = arith.constant 80 : index
      %swap3A_159 = tpu.vector_load %arg7[%swap3A_157, %swap3A_158] {strides = array<i32>} : memref<256x256xf32, #tpu.memory_space<vmem>>, vector<1x16xf32>,
      %swap3A_160 = vector.shape_cast %swap3A_159 : vector<1x16xf32> to vector<16xf32>
      %swap3A_161 = vector.shape_cast %add3A_156 : vector<16xf32> to vector<1x16xf32>
      tpu.vector_store %arg7[%swap3A_157, %swap3A_158], %swap3A_161 {strides = array<i32>} : memref<256x256xf32, #tpu.memory_space<vmem>>, vector<1x16xf32>,
      %get3A_162 = arith.index_cast %add3A_74 : i32 to index
      %get3A_163 = arith.constant 96 : index
      %get3A_164 = tpu.vector_load %arg7[%get3A_162, %get3A_163] {strides = array<i32>} : memref<256x256xf32, #tpu.memory_space<vmem>>, vector<1x16xf32>,
      %get3A_165 = vector.shape_cast %get3A_164 : vector<1x16xf32> to vector<16xf32>
      %get3A_166 = arith.index_cast %scan3A_72 : i32 to index
      %get3A_167 = arith.constant 96 : index
      %get3A_168 = tpu.vector_load %arg8[%get3A_166, %get3A_167] {strides = array<i32>} : memref<64x256xf32, #tpu.memory_space<vmem>>, vector<1x16xf32>,
      %get3A_169 = vector.shape_cast %get3A_168 : vector<1x16xf32> to vector<16xf32>
      %sub3A_170 = arith.subf %get3A_165, %get3A_169 : vector<16xf32>
      %add3A_171 = arith.addf %get3A_169, %sub3A_170 : vector<16xf32>
      %swap3A_172 = arith.index_cast %add3A_74 : i32 to index
      %swap3A_173 = arith.constant 96 : index
      %swap3A_174 = tpu.vector_load %arg7[%swap3A_172, %swap3A_173] {strides = array<i32>} : memref<256x256xf32, #tpu.memory_space<vmem>>, vector<1x16xf32>,
      %swap3A_175 = vector.shape_cast %swap3A_174 : vector<1x16xf32> to vector<16xf32>
      %swap3A_176 = vector.shape_cast %add3A_171 : vector<16xf32> to vector<1x16xf32>
      tpu.vector_store %arg7[%swap3A_172, %swap3A_173], %swap3A_176 {strides = array<i32>} : memref<256x256xf32, #tpu.memory_space<vmem>>, vector<1x16xf32>,
      %get3A_177 = arith.index_cast %add3A_74 : i32 to index
      %get3A_178 = arith.constant 112 : index
      %get3A_179 = tpu.vector_load %arg7[%get3A_177, %get3A_178] {strides = array<i32>} : memref<256x256xf32, #tpu.memory_space<vmem>>, vector<1x16xf32>,
      %get3A_180 = vector.shape_cast %get3A_179 : vector<1x16xf32> to vector<16xf32>
      %get3A_181 = arith.index_cast %scan3A_72 : i32 to index
      %get3A_182 = arith.constant 112 : index
      %get3A_183 = tpu.vector_load %arg8[%get3A_181, %get3A_182] {strides = array<i32>} : memref<64x256xf32, #tpu.memory_space<vmem>>, vector<1x16xf32>,
      %get3A_184 = vector.shape_cast %get3A_183 : vector<1x16xf32> to vector<16xf32>
      %sub3A_185 = arith.subf %get3A_180, %get3A_184 : vector<16xf32>
      %add3A_186 = arith.addf %get3A_184, %sub3A_185 : vector<16xf32>
      %swap3A_187 = arith.index_cast %add3A_74 : i32 to index
      %swap3A_188 = arith.constant 112 : index
      %swap3A_189 = tpu.vector_load %arg7[%swap3A_187, %swap3A_188] {strides = array<i32>} : memref<256x256xf32, #tpu.memory_space<vmem>>, vector<1x16xf32>,
      %swap3A_190 = vector.shape_cast %swap3A_189 : vector<1x16xf32> to vector<16xf32>
      %swap3A_191 = vector.shape_cast %add3A_186 : vector<16xf32> to vector<1x16xf32>
      tpu.vector_store %arg7[%swap3A_187, %swap3A_188], %swap3A_191 {strides = array<i32>} : memref<256x256xf32, #tpu.memory_space<vmem>>, vector<1x16xf32>,
      %get3A_192 = arith.index_cast %add3A_74 : i32 to index
      %get3A_193 = arith.constant 128 : index
      %get3A_194 = tpu.vector_load %arg7[%get3A_192, %get3A_193] {strides = array<i32>} : memref<256x256xf32, #tpu.memory_space<vmem>>, vector<1x16xf32>,
      %get3A_195 = vector.shape_cast %get3A_194 : vector<1x16xf32> to vector<16xf32>
      %get3A_196 = arith.index_cast %scan3A_72 : i32 to index
      %get3A_197 = arith.constant 128 : index
      %get3A_198 = tpu.vector_load %arg8[%get3A_196, %get3A_197] {strides = array<i32>} : memref<64x256xf32, #tpu.memory_space<vmem>>, vector<1x16xf32>,
      %get3A_199 = vector.shape_cast %get3A_198 : vector<1x16xf32> to vector<16xf32>
      %sub3A_200 = arith.subf %get3A_195, %get3A_199 : vector<16xf32>
      %add3A_201 = arith.addf %get3A_199, %sub3A_200 : vector<16xf32>
      %swap3A_202 = arith.index_cast %add3A_74 : i32 to index
      %swap3A_203 = arith.constant 128 : index
      %swap3A_204 = tpu.vector_load %arg7[%swap3A_202, %swap3A_203] {strides = array<i32>} : memref<256x256xf32, #tpu.memory_space<vmem>>, vector<1x16xf32>,
      %swap3A_205 = vector.shape_cast %swap3A_204 : vector<1x16xf32> to vector<16xf32>
      %swap3A_206 = vector.shape_cast %add3A_201 : vector<16xf32> to vector<1x16xf32>
      tpu.vector_store %arg7[%swap3A_202, %swap3A_203], %swap3A_206 {strides = array<i32>} : memref<256x256xf32, #tpu.memory_space<vmem>>, vector<1x16xf32>,
      %get3A_207 = arith.index_cast %add3A_74 : i32 to index
      %get3A_208 = arith.constant 144 : index
      %get3A_209 = tpu.vector_load %arg7[%get3A_207, %get3A_208] {strides = array<i32>} : memref<256x256xf32, #tpu.memory_space<vmem>>, vector<1x16xf32>,
      %get3A_210 = vector.shape_cast %get3A_209 : vector<1x16xf32> to vector<16xf32>
      %get3A_211 = arith.index_cast %scan3A_72 : i32 to index
      %get3A_212 = arith.constant 144 : index
      %get3A_213 = tpu.vector_load %arg8[%get3A_211, %get3A_212] {strides = array<i32>} : memref<64x256xf32, #tpu.memory_space<vmem>>, vector<1x16xf32>,
      %get3A_214 = vector.shape_cast %get3A_213 : vector<1x16xf32> to vector<16xf32>
      %sub3A_215 = arith.subf %get3A_210, %get3A_214 : vector<16xf32>
      %add3A_216 = arith.addf %get3A_214, %sub3A_215 : vector<16xf32>
      %swap3A_217 = arith.index_cast %add3A_74 : i32 to index
      %swap3A_218 = arith.constant 144 : index
      %swap3A_219 = tpu.vector_load %arg7[%swap3A_217, %swap3A_218] {strides = array<i32>} : memref<256x256xf32, #tpu.memory_space<vmem>>, vector<1x16xf32>,
      %swap3A_220 = vector.shape_cast %swap3A_219 : vector<1x16xf32> to vector<16xf32>
      %swap3A_221 = vector.shape_cast %add3A_216 : vector<16xf32> to vector<1x16xf32>
      tpu.vector_store %arg7[%swap3A_217, %swap3A_218], %swap3A_221 {strides = array<i32>} : memref<256x256xf32, #tpu.memory_space<vmem>>, vector<1x16xf32>,
      %get3A_222 = arith.index_cast %add3A_74 : i32 to index
      %get3A_223 = arith.constant 160 : index
      %get3A_224 = tpu.vector_load %arg7[%get3A_222, %get3A_223] {strides = array<i32>} : memref<256x256xf32, #tpu.memory_space<vmem>>, vector<1x16xf32>,
      %get3A_225 = vector.shape_cast %get3A_224 : vector<1x16xf32> to vector<16xf32>
      %get3A_226 = arith.index_cast %scan3A_72 : i32 to index
      %get3A_227 = arith.constant 160 : index
      %get3A_228 = tpu.vector_load %arg8[%get3A_226, %get3A_227] {strides = array<i32>} : memref<64x256xf32, #tpu.memory_space<vmem>>, vector<1x16xf32>,
      %get3A_229 = vector.shape_cast %get3A_228 : vector<1x16xf32> to vector<16xf32>
      %sub3A_230 = arith.subf %get3A_225, %get3A_229 : vector<16xf32>
      %add3A_231 = arith.addf %get3A_229, %sub3A_230 : vector<16xf32>
      %swap3A_232 = arith.index_cast %add3A_74 : i32 to index
      %swap3A_233 = arith.constant 160 : index
      %swap3A_234 = tpu.vector_load %arg7[%swap3A_232, %swap3A_233] {strides = array<i32>} : memref<256x256xf32, #tpu.memory_space<vmem>>, vector<1x16xf32>,
      %swap3A_235 = vector.shape_cast %swap3A_234 : vector<1x16xf32> to vector<16xf32>
      %swap3A_236 = vector.shape_cast %add3A_231 : vector<16xf32> to vector<1x16xf32>
      tpu.vector_store %arg7[%swap3A_232, %swap3A_233], %swap3A_236 {strides = array<i32>} : memref<256x256xf32, #tpu.memory_space<vmem>>, vector<1x16xf32>,
      %get3A_237 = arith.index_cast %add3A_74 : i32 to index
      %get3A_238 = arith.constant 176 : index
      %get3A_239 = tpu.vector_load %arg7[%get3A_237, %get3A_238] {strides = array<i32>} : memref<256x256xf32, #tpu.memory_space<vmem>>, vector<1x16xf32>,
      %get3A_240 = vector.shape_cast %get3A_239 : vector<1x16xf32> to vector<16xf32>
      %get3A_241 = arith.index_cast %scan3A_72 : i32 to index
      %get3A_242 = arith.constant 176 : index
      %get3A_243 = tpu.vector_load %arg8[%get3A_241, %get3A_242] {strides = array<i32>} : memref<64x256xf32, #tpu.memory_space<vmem>>, vector<1x16xf32>,
      %get3A_244 = vector.shape_cast %get3A_243 : vector<1x16xf32> to vector<16xf32>
      %sub3A_245 = arith.subf %get3A_240, %get3A_244 : vector<16xf32>
      %add3A_246 = arith.addf %get3A_244, %sub3A_245 : vector<16xf32>
      %swap3A_247 = arith.index_cast %add3A_74 : i32 to index
      %swap3A_248 = arith.constant 176 : index
      %swap3A_249 = tpu.vector_load %arg7[%swap3A_247, %swap3A_248] {strides = array<i32>} : memref<256x256xf32, #tpu.memory_space<vmem>>, vector<1x16xf32>,
      %swap3A_250 = vector.shape_cast %swap3A_249 : vector<1x16xf32> to vector<16xf32>
      %swap3A_251 = vector.shape_cast %add3A_246 : vector<16xf32> to vector<1x16xf32>
      tpu.vector_store %arg7[%swap3A_247, %swap3A_248], %swap3A_251 {strides = array<i32>} : memref<256x256xf32, #tpu.memory_space<vmem>>, vector<1x16xf32>,
      %get3A_252 = arith.index_cast %add3A_74 : i32 to index
      %get3A_253 = arith.constant 192 : index
      %get3A_254 = tpu.vector_load %arg7[%get3A_252, %get3A_253] {strides = array<i32>} : memref<256x256xf32, #tpu.memory_space<vmem>>, vector<1x16xf32>,
      %get3A_255 = vector.shape_cast %get3A_254 : vector<1x16xf32> to vector<16xf32>
      %get3A_256 = arith.index_cast %scan3A_72 : i32 to index
      %get3A_257 = arith.constant 192 : index
      %get3A_258 = tpu.vector_load %arg8[%get3A_256, %get3A_257] {strides = array<i32>} : memref<64x256xf32, #tpu.memory_space<vmem>>, vector<1x16xf32>,
      %get3A_259 = vector.shape_cast %get3A_258 : vector<1x16xf32> to vector<16xf32>
      %sub3A_260 = arith.subf %get3A_255, %get3A_259 : vector<16xf32>
      %add3A_261 = arith.addf %get3A_259, %sub3A_260 : vector<16xf32>
      %swap3A_262 = arith.index_cast %add3A_74 : i32 to index
      %swap3A_263 = arith.constant 192 : index
      %swap3A_264 = tpu.vector_load %arg7[%swap3A_262, %swap3A_263] {strides = array<i32>} : memref<256x256xf32, #tpu.memory_space<vmem>>, vector<1x16xf32>,
      %swap3A_265 = vector.shape_cast %swap3A_264 : vector<1x16xf32> to vector<16xf32>
      %swap3A_266 = vector.shape_cast %add3A_261 : vector<16xf32> to vector<1x16xf32>
      tpu.vector_store %arg7[%swap3A_262, %swap3A_263], %swap3A_266 {strides = array<i32>} : memref<256x256xf32, #tpu.memory_space<vmem>>, vector<1x16xf32>,
      %get3A_267 = arith.index_cast %add3A_74 : i32 to index
      %get3A_268 = arith.constant 208 : index
      %get3A_269 = tpu.vector_load %arg7[%get3A_267, %get3A_268] {strides = array<i32>} : memref<256x256xf32, #tpu.memory_space<vmem>>, vector<1x16xf32>,
      %get3A_270 = vector.shape_cast %get3A_269 : vector<1x16xf32> to vector<16xf32>
      %get3A_271 = arith.index_cast %scan3A_72 : i32 to index
      %get3A_272 = arith.constant 208 : index
      %get3A_273 = tpu.vector_load %arg8[%get3A_271, %get3A_272] {strides = array<i32>} : memref<64x256xf32, #tpu.memory_space<vmem>>, vector<1x16xf32>,
      %get3A_274 = vector.shape_cast %get3A_273 : vector<1x16xf32> to vector<16xf32>
      %sub3A_275 = arith.subf %get3A_270, %get3A_274 : vector<16xf32>
      %add3A_276 = arith.addf %get3A_274, %sub3A_275 : vector<16xf32>
      %swap3A_277 = arith.index_cast %add3A_74 : i32 to index
      %swap3A_278 = arith.constant 208 : index
      %swap3A_279 = tpu.vector_load %arg7[%swap3A_277, %swap3A_278] {strides = array<i32>} : memref<256x256xf32, #tpu.memory_space<vmem>>, vector<1x16xf32>,
      %swap3A_280 = vector.shape_cast %swap3A_279 : vector<1x16xf32> to vector<16xf32>
      %swap3A_281 = vector.shape_cast %add3A_276 : vector<16xf32> to vector<1x16xf32>
      tpu.vector_store %arg7[%swap3A_277, %swap3A_278], %swap3A_281 {strides = array<i32>} : memref<256x256xf32, #tpu.memory_space<vmem>>, vector<1x16xf32>,
      %get3A_282 = arith.index_cast %add3A_74 : i32 to index
      %get3A_283 = arith.constant 224 : index
      %get3A_284 = tpu.vector_load %arg7[%get3A_282, %get3A_283] {strides = array<i32>} : memref<256x256xf32, #tpu.memory_space<vmem>>, vector<1x16xf32>,
      %get3A_285 = vector.shape_cast %get3A_284 : vector<1x16xf32> to vector<16xf32>
      %get3A_286 = arith.index_cast %scan3A_72 : i32 to index
      %get3A_287 = arith.constant 224 : index
      %get3A_288 = tpu.vector_load %arg8[%get3A_286, %get3A_287] {strides = array<i32>} : memref<64x256xf32, #tpu.memory_space<vmem>>, vector<1x16xf32>,
      %get3A_289 = vector.shape_cast %get3A_288 : vector<1x16xf32> to vector<16xf32>
      %sub3A_290 = arith.subf %get3A_285, %get3A_289 : vector<16xf32>
      %add3A_291 = arith.addf %get3A_289, %sub3A_290 : vector<16xf32>
      %swap3A_292 = arith.index_cast %add3A_74 : i32 to index
      %swap3A_293 = arith.constant 224 : index
      %swap3A_294 = tpu.vector_load %arg7[%swap3A_292, %swap3A_293] {strides = array<i32>} : memref<256x256xf32, #tpu.memory_space<vmem>>, vector<1x16xf32>,
      %swap3A_295 = vector.shape_cast %swap3A_294 : vector<1x16xf32> to vector<16xf32>
      %swap3A_296 = vector.shape_cast %add3A_291 : vector<16xf32> to vector<1x16xf32>
      tpu.vector_store %arg7[%swap3A_292, %swap3A_293], %swap3A_296 {strides = array<i32>} : memref<256x256xf32, #tpu.memory_space<vmem>>, vector<1x16xf32>,
      %get3A_297 = arith.index_cast %add3A_74 : i32 to index
      %get3A_298 = arith.constant 240 : index
      %get3A_299 = tpu.vector_load %arg7[%get3A_297, %get3A_298] {strides = array<i32>} : memref<256x256xf32, #tpu.memory_space<vmem>>, vector<1x16xf32>,
      %get3A_300 = vector.shape_cast %get3A_299 : vector<1x16xf32> to vector<16xf32>
      %get3A_301 = arith.index_cast %scan3A_72 : i32 to index
      %get3A_302 = arith.constant 240 : index
      %get3A_303 = tpu.vector_load %arg8[%get3A_301, %get3A_302] {strides = array<i32>} : memref<64x256xf32, #tpu.memory_space<vmem>>, vector<1x16xf32>,
      %get3A_304 = vector.shape_cast %get3A_303 : vector<1x16xf32> to vector<16xf32>
      %sub3A_305 = arith.subf %get3A_300, %get3A_304 : vector<16xf32>
      %add3A_306 = arith.addf %get3A_304, %sub3A_305 : vector<16xf32>
      %swap3A_307 = arith.index_cast %add3A_74 : i32 to index
      %swap3A_308 = arith.constant 240 : index
      %swap3A_309 = tpu.vector_load %arg7[%swap3A_307, %swap3A_308] {strides = array<i32>} : memref<256x256xf32, #tpu.memory_space<vmem>>, vector<1x16xf32>,
      %swap3A_310 = vector.shape_cast %swap3A_309 : vector<1x16xf32> to vector<16xf32>
      %swap3A_311 = vector.shape_cast %add3A_306 : vector<16xf32> to vector<1x16xf32>
      tpu.vector_store %arg7[%swap3A_307, %swap3A_308], %swap3A_311 {strides = array<i32>} : memref<256x256xf32, #tpu.memory_space<vmem>>, vector<1x16xf32>,
    }
    %scan3A_63 = arith.constant 64 : i32
    %add3A_64 = arith.constant 192 : i32
    %add3A_65 = arith.addi %mul3A_2, %add3A_64 : i32
    "tpu.region"() ({
      %run_scoped3A = tpu.sem_alloc : memref<!tpu.dma_semaphore, #tpu.memory_space<semaphore_mem>>
      %dma_start3A_72 = arith.constant 0 : i32
      %dma_start3A_73 = tpu.memref_slice %arg4[%add3A_65, %dma_start3A_72] : memref<8192x256xf32, #tpu.memory_space<hbm>> -> memref<64x256xf32, #tpu.memory_space<hbm>>
      %dma_start3A_74 = arith.constant 0 : i32
      %dma_start3A_75 = tpu.memref_slice %arg4[%add3A_65, %dma_start3A_74] : memref<8192x256xf32, #tpu.memory_space<hbm>> -> memref<64x256xf32, #tpu.memory_space<hbm>>
      tpu.enqueue_dma source(%dma_start3A_75 : memref<64x256xf32, #tpu.memory_space<hbm>>) target(%arg8 : memref<64x256xf32, #tpu.memory_space<vmem>>) target_semaphore(%run_scoped3A : memref<!tpu.dma_semaphore, #tpu.memory_space<semaphore_mem>>)
      %dma_wait3A_76 = arith.constant 0 : i32
      %dma_wait3A_77 = tpu.memref_slice %arg4[%add3A_65, %dma_wait3A_76] : memref<8192x256xf32, #tpu.memory_space<hbm>> -> memref<64x256xf32, #tpu.memory_space<hbm>>
      %dma_wait3A_78 = arith.constant 0 : i32
      %dma_wait3A_79 = tpu.memref_slice %arg4[%add3A_65, %dma_wait3A_78] : memref<8192x256xf32, #tpu.memory_space<hbm>> -> memref<64x256xf32, #tpu.memory_space<hbm>>
      tpu.wait_dma2 semaphore(%run_scoped3A : memref<!tpu.dma_semaphore, #tpu.memory_space<semaphore_mem>>) src(%dma_wait3A_79 : memref<64x256xf32, #tpu.memory_space<hbm>>) dst(%arg8 : memref<64x256xf32, #tpu.memory_space<vmem>>)
      tpu.yield
    }) : () -> ()
    %scan3A_66 = arith.constant 0 : i32
    %scan3A_67 = arith.constant 0 : i32
    %scan3A_68 = arith.constant 64 : i32
    %scan3A_69 = arith.addi %scan3A_67, %scan3A_68 : i32
    %scan3A_70 = arith.constant 1 : i32
    scf.for %scan3A_72 = %scan3A_67 to %scan3A_69 step %scan3A_70  : i32 {
      %add3A_73 = arith.constant 192 : i32
      %add3A_74 = arith.addi %add3A_73, %scan3A_72 : i32
      %get3A = arith.index_cast %add3A_74 : i32 to index
      %get3A_75 = arith.constant 0 : index
      %get3A_76 = tpu.vector_load %arg7[%get3A, %get3A_75] {strides = array<i32>} : memref<256x256xf32, #tpu.memory_space<vmem>>, vector<1x16xf32>,
      %get3A_77 = vector.shape_cast %get3A_76 : vector<1x16xf32> to vector<16xf32>
      %get3A_78 = arith.index_cast %scan3A_72 : i32 to index
      %get3A_79 = arith.constant 0 : index
      %get3A_80 = tpu.vector_load %arg8[%get3A_78, %get3A_79] {strides = array<i32>} : memref<64x256xf32, #tpu.memory_space<vmem>>, vector<1x16xf32>,
      %get3A_81 = vector.shape_cast %get3A_80 : vector<1x16xf32> to vector<16xf32>
      %sub3A = arith.subf %get3A_77, %get3A_81 : vector<16xf32>
      %add3A_82 = arith.addf %get3A_81, %sub3A : vector<16xf32>
      %swap3A = arith.index_cast %add3A_74 : i32 to index
      %swap3A_83 = arith.constant 0 : index
      %swap3A_84 = tpu.vector_load %arg7[%swap3A, %swap3A_83] {strides = array<i32>} : memref<256x256xf32, #tpu.memory_space<vmem>>, vector<1x16xf32>,
      %swap3A_85 = vector.shape_cast %swap3A_84 : vector<1x16xf32> to vector<16xf32>
      %swap3A_86 = vector.shape_cast %add3A_82 : vector<16xf32> to vector<1x16xf32>
      tpu.vector_store %arg7[%swap3A, %swap3A_83], %swap3A_86 {strides = array<i32>} : memref<256x256xf32, #tpu.memory_space<vmem>>, vector<1x16xf32>,
      %get3A_87 = arith.index_cast %add3A_74 : i32 to index
      %get3A_88 = arith.constant 16 : index
      %get3A_89 = tpu.vector_load %arg7[%get3A_87, %get3A_88] {strides = array<i32>} : memref<256x256xf32, #tpu.memory_space<vmem>>, vector<1x16xf32>,
      %get3A_90 = vector.shape_cast %get3A_89 : vector<1x16xf32> to vector<16xf32>
      %get3A_91 = arith.index_cast %scan3A_72 : i32 to index
      %get3A_92 = arith.constant 16 : index
      %get3A_93 = tpu.vector_load %arg8[%get3A_91, %get3A_92] {strides = array<i32>} : memref<64x256xf32, #tpu.memory_space<vmem>>, vector<1x16xf32>,
      %get3A_94 = vector.shape_cast %get3A_93 : vector<1x16xf32> to vector<16xf32>
      %sub3A_95 = arith.subf %get3A_90, %get3A_94 : vector<16xf32>
      %add3A_96 = arith.addf %get3A_94, %sub3A_95 : vector<16xf32>
      %swap3A_97 = arith.index_cast %add3A_74 : i32 to index
      %swap3A_98 = arith.constant 16 : index
      %swap3A_99 = tpu.vector_load %arg7[%swap3A_97, %swap3A_98] {strides = array<i32>} : memref<256x256xf32, #tpu.memory_space<vmem>>, vector<1x16xf32>,
      %swap3A_100 = vector.shape_cast %swap3A_99 : vector<1x16xf32> to vector<16xf32>
      %swap3A_101 = vector.shape_cast %add3A_96 : vector<16xf32> to vector<1x16xf32>
      tpu.vector_store %arg7[%swap3A_97, %swap3A_98], %swap3A_101 {strides = array<i32>} : memref<256x256xf32, #tpu.memory_space<vmem>>, vector<1x16xf32>,
      %get3A_102 = arith.index_cast %add3A_74 : i32 to index
      %get3A_103 = arith.constant 32 : index
      %get3A_104 = tpu.vector_load %arg7[%get3A_102, %get3A_103] {strides = array<i32>} : memref<256x256xf32, #tpu.memory_space<vmem>>, vector<1x16xf32>,
      %get3A_105 = vector.shape_cast %get3A_104 : vector<1x16xf32> to vector<16xf32>
      %get3A_106 = arith.index_cast %scan3A_72 : i32 to index
      %get3A_107 = arith.constant 32 : index
      %get3A_108 = tpu.vector_load %arg8[%get3A_106, %get3A_107] {strides = array<i32>} : memref<64x256xf32, #tpu.memory_space<vmem>>, vector<1x16xf32>,
      %get3A_109 = vector.shape_cast %get3A_108 : vector<1x16xf32> to vector<16xf32>
      %sub3A_110 = arith.subf %get3A_105, %get3A_109 : vector<16xf32>
      %add3A_111 = arith.addf %get3A_109, %sub3A_110 : vector<16xf32>
      %swap3A_112 = arith.index_cast %add3A_74 : i32 to index
      %swap3A_113 = arith.constant 32 : index
      %swap3A_114 = tpu.vector_load %arg7[%swap3A_112, %swap3A_113] {strides = array<i32>} : memref<256x256xf32, #tpu.memory_space<vmem>>, vector<1x16xf32>,
      %swap3A_115 = vector.shape_cast %swap3A_114 : vector<1x16xf32> to vector<16xf32>
      %swap3A_116 = vector.shape_cast %add3A_111 : vector<16xf32> to vector<1x16xf32>
      tpu.vector_store %arg7[%swap3A_112, %swap3A_113], %swap3A_116 {strides = array<i32>} : memref<256x256xf32, #tpu.memory_space<vmem>>, vector<1x16xf32>,
      %get3A_117 = arith.index_cast %add3A_74 : i32 to index
      %get3A_118 = arith.constant 48 : index
      %get3A_119 = tpu.vector_load %arg7[%get3A_117, %get3A_118] {strides = array<i32>} : memref<256x256xf32, #tpu.memory_space<vmem>>, vector<1x16xf32>,
      %get3A_120 = vector.shape_cast %get3A_119 : vector<1x16xf32> to vector<16xf32>
      %get3A_121 = arith.index_cast %scan3A_72 : i32 to index
      %get3A_122 = arith.constant 48 : index
      %get3A_123 = tpu.vector_load %arg8[%get3A_121, %get3A_122] {strides = array<i32>} : memref<64x256xf32, #tpu.memory_space<vmem>>, vector<1x16xf32>,
      %get3A_124 = vector.shape_cast %get3A_123 : vector<1x16xf32> to vector<16xf32>
      %sub3A_125 = arith.subf %get3A_120, %get3A_124 : vector<16xf32>
      %add3A_126 = arith.addf %get3A_124, %sub3A_125 : vector<16xf32>
      %swap3A_127 = arith.index_cast %add3A_74 : i32 to index
      %swap3A_128 = arith.constant 48 : index
      %swap3A_129 = tpu.vector_load %arg7[%swap3A_127, %swap3A_128] {strides = array<i32>} : memref<256x256xf32, #tpu.memory_space<vmem>>, vector<1x16xf32>,
      %swap3A_130 = vector.shape_cast %swap3A_129 : vector<1x16xf32> to vector<16xf32>
      %swap3A_131 = vector.shape_cast %add3A_126 : vector<16xf32> to vector<1x16xf32>
      tpu.vector_store %arg7[%swap3A_127, %swap3A_128], %swap3A_131 {strides = array<i32>} : memref<256x256xf32, #tpu.memory_space<vmem>>, vector<1x16xf32>,
      %get3A_132 = arith.index_cast %add3A_74 : i32 to index
      %get3A_133 = arith.constant 64 : index
      %get3A_134 = tpu.vector_load %arg7[%get3A_132, %get3A_133] {strides = array<i32>} : memref<256x256xf32, #tpu.memory_space<vmem>>, vector<1x16xf32>,
      %get3A_135 = vector.shape_cast %get3A_134 : vector<1x16xf32> to vector<16xf32>
      %get3A_136 = arith.index_cast %scan3A_72 : i32 to index
      %get3A_137 = arith.constant 64 : index
      %get3A_138 = tpu.vector_load %arg8[%get3A_136, %get3A_137] {strides = array<i32>} : memref<64x256xf32, #tpu.memory_space<vmem>>, vector<1x16xf32>,
      %get3A_139 = vector.shape_cast %get3A_138 : vector<1x16xf32> to vector<16xf32>
      %sub3A_140 = arith.subf %get3A_135, %get3A_139 : vector<16xf32>
      %add3A_141 = arith.addf %get3A_139, %sub3A_140 : vector<16xf32>
      %swap3A_142 = arith.index_cast %add3A_74 : i32 to index
      %swap3A_143 = arith.constant 64 : index
      %swap3A_144 = tpu.vector_load %arg7[%swap3A_142, %swap3A_143] {strides = array<i32>} : memref<256x256xf32, #tpu.memory_space<vmem>>, vector<1x16xf32>,
      %swap3A_145 = vector.shape_cast %swap3A_144 : vector<1x16xf32> to vector<16xf32>
      %swap3A_146 = vector.shape_cast %add3A_141 : vector<16xf32> to vector<1x16xf32>
      tpu.vector_store %arg7[%swap3A_142, %swap3A_143], %swap3A_146 {strides = array<i32>} : memref<256x256xf32, #tpu.memory_space<vmem>>, vector<1x16xf32>,
      %get3A_147 = arith.index_cast %add3A_74 : i32 to index
      %get3A_148 = arith.constant 80 : index
      %get3A_149 = tpu.vector_load %arg7[%get3A_147, %get3A_148] {strides = array<i32>} : memref<256x256xf32, #tpu.memory_space<vmem>>, vector<1x16xf32>,
      %get3A_150 = vector.shape_cast %get3A_149 : vector<1x16xf32> to vector<16xf32>
      %get3A_151 = arith.index_cast %scan3A_72 : i32 to index
      %get3A_152 = arith.constant 80 : index
      %get3A_153 = tpu.vector_load %arg8[%get3A_151, %get3A_152] {strides = array<i32>} : memref<64x256xf32, #tpu.memory_space<vmem>>, vector<1x16xf32>,
      %get3A_154 = vector.shape_cast %get3A_153 : vector<1x16xf32> to vector<16xf32>
      %sub3A_155 = arith.subf %get3A_150, %get3A_154 : vector<16xf32>
      %add3A_156 = arith.addf %get3A_154, %sub3A_155 : vector<16xf32>
      %swap3A_157 = arith.index_cast %add3A_74 : i32 to index
      %swap3A_158 = arith.constant 80 : index
      %swap3A_159 = tpu.vector_load %arg7[%swap3A_157, %swap3A_158] {strides = array<i32>} : memref<256x256xf32, #tpu.memory_space<vmem>>, vector<1x16xf32>,
      %swap3A_160 = vector.shape_cast %swap3A_159 : vector<1x16xf32> to vector<16xf32>
      %swap3A_161 = vector.shape_cast %add3A_156 : vector<16xf32> to vector<1x16xf32>
      tpu.vector_store %arg7[%swap3A_157, %swap3A_158], %swap3A_161 {strides = array<i32>} : memref<256x256xf32, #tpu.memory_space<vmem>>, vector<1x16xf32>,
      %get3A_162 = arith.index_cast %add3A_74 : i32 to index
      %get3A_163 = arith.constant 96 : index
      %get3A_164 = tpu.vector_load %arg7[%get3A_162, %get3A_163] {strides = array<i32>} : memref<256x256xf32, #tpu.memory_space<vmem>>, vector<1x16xf32>,
      %get3A_165 = vector.shape_cast %get3A_164 : vector<1x16xf32> to vector<16xf32>
      %get3A_166 = arith.index_cast %scan3A_72 : i32 to index
      %get3A_167 = arith.constant 96 : index
      %get3A_168 = tpu.vector_load %arg8[%get3A_166, %get3A_167] {strides = array<i32>} : memref<64x256xf32, #tpu.memory_space<vmem>>, vector<1x16xf32>,
      %get3A_169 = vector.shape_cast %get3A_168 : vector<1x16xf32> to vector<16xf32>
      %sub3A_170 = arith.subf %get3A_165, %get3A_169 : vector<16xf32>
      %add3A_171 = arith.addf %get3A_169, %sub3A_170 : vector<16xf32>
      %swap3A_172 = arith.index_cast %add3A_74 : i32 to index
      %swap3A_173 = arith.constant 96 : index
      %swap3A_174 = tpu.vector_load %arg7[%swap3A_172, %swap3A_173] {strides = array<i32>} : memref<256x256xf32, #tpu.memory_space<vmem>>, vector<1x16xf32>,
      %swap3A_175 = vector.shape_cast %swap3A_174 : vector<1x16xf32> to vector<16xf32>
      %swap3A_176 = vector.shape_cast %add3A_171 : vector<16xf32> to vector<1x16xf32>
      tpu.vector_store %arg7[%swap3A_172, %swap3A_173], %swap3A_176 {strides = array<i32>} : memref<256x256xf32, #tpu.memory_space<vmem>>, vector<1x16xf32>,
      %get3A_177 = arith.index_cast %add3A_74 : i32 to index
      %get3A_178 = arith.constant 112 : index
      %get3A_179 = tpu.vector_load %arg7[%get3A_177, %get3A_178] {strides = array<i32>} : memref<256x256xf32, #tpu.memory_space<vmem>>, vector<1x16xf32>,
      %get3A_180 = vector.shape_cast %get3A_179 : vector<1x16xf32> to vector<16xf32>
      %get3A_181 = arith.index_cast %scan3A_72 : i32 to index
      %get3A_182 = arith.constant 112 : index
      %get3A_183 = tpu.vector_load %arg8[%get3A_181, %get3A_182] {strides = array<i32>} : memref<64x256xf32, #tpu.memory_space<vmem>>, vector<1x16xf32>,
      %get3A_184 = vector.shape_cast %get3A_183 : vector<1x16xf32> to vector<16xf32>
      %sub3A_185 = arith.subf %get3A_180, %get3A_184 : vector<16xf32>
      %add3A_186 = arith.addf %get3A_184, %sub3A_185 : vector<16xf32>
      %swap3A_187 = arith.index_cast %add3A_74 : i32 to index
      %swap3A_188 = arith.constant 112 : index
      %swap3A_189 = tpu.vector_load %arg7[%swap3A_187, %swap3A_188] {strides = array<i32>} : memref<256x256xf32, #tpu.memory_space<vmem>>, vector<1x16xf32>,
      %swap3A_190 = vector.shape_cast %swap3A_189 : vector<1x16xf32> to vector<16xf32>
      %swap3A_191 = vector.shape_cast %add3A_186 : vector<16xf32> to vector<1x16xf32>
      tpu.vector_store %arg7[%swap3A_187, %swap3A_188], %swap3A_191 {strides = array<i32>} : memref<256x256xf32, #tpu.memory_space<vmem>>, vector<1x16xf32>,
      %get3A_192 = arith.index_cast %add3A_74 : i32 to index
      %get3A_193 = arith.constant 128 : index
      %get3A_194 = tpu.vector_load %arg7[%get3A_192, %get3A_193] {strides = array<i32>} : memref<256x256xf32, #tpu.memory_space<vmem>>, vector<1x16xf32>,
      %get3A_195 = vector.shape_cast %get3A_194 : vector<1x16xf32> to vector<16xf32>
      %get3A_196 = arith.index_cast %scan3A_72 : i32 to index
      %get3A_197 = arith.constant 128 : index
      %get3A_198 = tpu.vector_load %arg8[%get3A_196, %get3A_197] {strides = array<i32>} : memref<64x256xf32, #tpu.memory_space<vmem>>, vector<1x16xf32>,
      %get3A_199 = vector.shape_cast %get3A_198 : vector<1x16xf32> to vector<16xf32>
      %sub3A_200 = arith.subf %get3A_195, %get3A_199 : vector<16xf32>
      %add3A_201 = arith.addf %get3A_199, %sub3A_200 : vector<16xf32>
      %swap3A_202 = arith.index_cast %add3A_74 : i32 to index
      %swap3A_203 = arith.constant 128 : index
      %swap3A_204 = tpu.vector_load %arg7[%swap3A_202, %swap3A_203] {strides = array<i32>} : memref<256x256xf32, #tpu.memory_space<vmem>>, vector<1x16xf32>,
      %swap3A_205 = vector.shape_cast %swap3A_204 : vector<1x16xf32> to vector<16xf32>
      %swap3A_206 = vector.shape_cast %add3A_201 : vector<16xf32> to vector<1x16xf32>
      tpu.vector_store %arg7[%swap3A_202, %swap3A_203], %swap3A_206 {strides = array<i32>} : memref<256x256xf32, #tpu.memory_space<vmem>>, vector<1x16xf32>,
      %get3A_207 = arith.index_cast %add3A_74 : i32 to index
      %get3A_208 = arith.constant 144 : index
      %get3A_209 = tpu.vector_load %arg7[%get3A_207, %get3A_208] {strides = array<i32>} : memref<256x256xf32, #tpu.memory_space<vmem>>, vector<1x16xf32>,
      %get3A_210 = vector.shape_cast %get3A_209 : vector<1x16xf32> to vector<16xf32>
      %get3A_211 = arith.index_cast %scan3A_72 : i32 to index
      %get3A_212 = arith.constant 144 : index
      %get3A_213 = tpu.vector_load %arg8[%get3A_211, %get3A_212] {strides = array<i32>} : memref<64x256xf32, #tpu.memory_space<vmem>>, vector<1x16xf32>,
      %get3A_214 = vector.shape_cast %get3A_213 : vector<1x16xf32> to vector<16xf32>
      %sub3A_215 = arith.subf %get3A_210, %get3A_214 : vector<16xf32>
      %add3A_216 = arith.addf %get3A_214, %sub3A_215 : vector<16xf32>
      %swap3A_217 = arith.index_cast %add3A_74 : i32 to index
      %swap3A_218 = arith.constant 144 : index
      %swap3A_219 = tpu.vector_load %arg7[%swap3A_217, %swap3A_218] {strides = array<i32>} : memref<256x256xf32, #tpu.memory_space<vmem>>, vector<1x16xf32>,
      %swap3A_220 = vector.shape_cast %swap3A_219 : vector<1x16xf32> to vector<16xf32>
      %swap3A_221 = vector.shape_cast %add3A_216 : vector<16xf32> to vector<1x16xf32>
      tpu.vector_store %arg7[%swap3A_217, %swap3A_218], %swap3A_221 {strides = array<i32>} : memref<256x256xf32, #tpu.memory_space<vmem>>, vector<1x16xf32>,
      %get3A_222 = arith.index_cast %add3A_74 : i32 to index
      %get3A_223 = arith.constant 160 : index
      %get3A_224 = tpu.vector_load %arg7[%get3A_222, %get3A_223] {strides = array<i32>} : memref<256x256xf32, #tpu.memory_space<vmem>>, vector<1x16xf32>,
      %get3A_225 = vector.shape_cast %get3A_224 : vector<1x16xf32> to vector<16xf32>
      %get3A_226 = arith.index_cast %scan3A_72 : i32 to index
      %get3A_227 = arith.constant 160 : index
      %get3A_228 = tpu.vector_load %arg8[%get3A_226, %get3A_227] {strides = array<i32>} : memref<64x256xf32, #tpu.memory_space<vmem>>, vector<1x16xf32>,
      %get3A_229 = vector.shape_cast %get3A_228 : vector<1x16xf32> to vector<16xf32>
      %sub3A_230 = arith.subf %get3A_225, %get3A_229 : vector<16xf32>
      %add3A_231 = arith.addf %get3A_229, %sub3A_230 : vector<16xf32>
      %swap3A_232 = arith.index_cast %add3A_74 : i32 to index
      %swap3A_233 = arith.constant 160 : index
      %swap3A_234 = tpu.vector_load %arg7[%swap3A_232, %swap3A_233] {strides = array<i32>} : memref<256x256xf32, #tpu.memory_space<vmem>>, vector<1x16xf32>,
      %swap3A_235 = vector.shape_cast %swap3A_234 : vector<1x16xf32> to vector<16xf32>
      %swap3A_236 = vector.shape_cast %add3A_231 : vector<16xf32> to vector<1x16xf32>
      tpu.vector_store %arg7[%swap3A_232, %swap3A_233], %swap3A_236 {strides = array<i32>} : memref<256x256xf32, #tpu.memory_space<vmem>>, vector<1x16xf32>,
      %get3A_237 = arith.index_cast %add3A_74 : i32 to index
      %get3A_238 = arith.constant 176 : index
      %get3A_239 = tpu.vector_load %arg7[%get3A_237, %get3A_238] {strides = array<i32>} : memref<256x256xf32, #tpu.memory_space<vmem>>, vector<1x16xf32>,
      %get3A_240 = vector.shape_cast %get3A_239 : vector<1x16xf32> to vector<16xf32>
      %get3A_241 = arith.index_cast %scan3A_72 : i32 to index
      %get3A_242 = arith.constant 176 : index
      %get3A_243 = tpu.vector_load %arg8[%get3A_241, %get3A_242] {strides = array<i32>} : memref<64x256xf32, #tpu.memory_space<vmem>>, vector<1x16xf32>,
      %get3A_244 = vector.shape_cast %get3A_243 : vector<1x16xf32> to vector<16xf32>
      %sub3A_245 = arith.subf %get3A_240, %get3A_244 : vector<16xf32>
      %add3A_246 = arith.addf %get3A_244, %sub3A_245 : vector<16xf32>
      %swap3A_247 = arith.index_cast %add3A_74 : i32 to index
      %swap3A_248 = arith.constant 176 : index
      %swap3A_249 = tpu.vector_load %arg7[%swap3A_247, %swap3A_248] {strides = array<i32>} : memref<256x256xf32, #tpu.memory_space<vmem>>, vector<1x16xf32>,
      %swap3A_250 = vector.shape_cast %swap3A_249 : vector<1x16xf32> to vector<16xf32>
      %swap3A_251 = vector.shape_cast %add3A_246 : vector<16xf32> to vector<1x16xf32>
      tpu.vector_store %arg7[%swap3A_247, %swap3A_248], %swap3A_251 {strides = array<i32>} : memref<256x256xf32, #tpu.memory_space<vmem>>, vector<1x16xf32>,
      %get3A_252 = arith.index_cast %add3A_74 : i32 to index
      %get3A_253 = arith.constant 192 : index
      %get3A_254 = tpu.vector_load %arg7[%get3A_252, %get3A_253] {strides = array<i32>} : memref<256x256xf32, #tpu.memory_space<vmem>>, vector<1x16xf32>,
      %get3A_255 = vector.shape_cast %get3A_254 : vector<1x16xf32> to vector<16xf32>
      %get3A_256 = arith.index_cast %scan3A_72 : i32 to index
      %get3A_257 = arith.constant 192 : index
      %get3A_258 = tpu.vector_load %arg8[%get3A_256, %get3A_257] {strides = array<i32>} : memref<64x256xf32, #tpu.memory_space<vmem>>, vector<1x16xf32>,
      %get3A_259 = vector.shape_cast %get3A_258 : vector<1x16xf32> to vector<16xf32>
      %sub3A_260 = arith.subf %get3A_255, %get3A_259 : vector<16xf32>
      %add3A_261 = arith.addf %get3A_259, %sub3A_260 : vector<16xf32>
      %swap3A_262 = arith.index_cast %add3A_74 : i32 to index
      %swap3A_263 = arith.constant 192 : index
      %swap3A_264 = tpu.vector_load %arg7[%swap3A_262, %swap3A_263] {strides = array<i32>} : memref<256x256xf32, #tpu.memory_space<vmem>>, vector<1x16xf32>,
      %swap3A_265 = vector.shape_cast %swap3A_264 : vector<1x16xf32> to vector<16xf32>
      %swap3A_266 = vector.shape_cast %add3A_261 : vector<16xf32> to vector<1x16xf32>
      tpu.vector_store %arg7[%swap3A_262, %swap3A_263], %swap3A_266 {strides = array<i32>} : memref<256x256xf32, #tpu.memory_space<vmem>>, vector<1x16xf32>,
      %get3A_267 = arith.index_cast %add3A_74 : i32 to index
      %get3A_268 = arith.constant 208 : index
      %get3A_269 = tpu.vector_load %arg7[%get3A_267, %get3A_268] {strides = array<i32>} : memref<256x256xf32, #tpu.memory_space<vmem>>, vector<1x16xf32>,
      %get3A_270 = vector.shape_cast %get3A_269 : vector<1x16xf32> to vector<16xf32>
      %get3A_271 = arith.index_cast %scan3A_72 : i32 to index
      %get3A_272 = arith.constant 208 : index
      %get3A_273 = tpu.vector_load %arg8[%get3A_271, %get3A_272] {strides = array<i32>} : memref<64x256xf32, #tpu.memory_space<vmem>>, vector<1x16xf32>,
      %get3A_274 = vector.shape_cast %get3A_273 : vector<1x16xf32> to vector<16xf32>
      %sub3A_275 = arith.subf %get3A_270, %get3A_274 : vector<16xf32>
      %add3A_276 = arith.addf %get3A_274, %sub3A_275 : vector<16xf32>
      %swap3A_277 = arith.index_cast %add3A_74 : i32 to index
      %swap3A_278 = arith.constant 208 : index
      %swap3A_279 = tpu.vector_load %arg7[%swap3A_277, %swap3A_278] {strides = array<i32>} : memref<256x256xf32, #tpu.memory_space<vmem>>, vector<1x16xf32>,
      %swap3A_280 = vector.shape_cast %swap3A_279 : vector<1x16xf32> to vector<16xf32>
      %swap3A_281 = vector.shape_cast %add3A_276 : vector<16xf32> to vector<1x16xf32>
      tpu.vector_store %arg7[%swap3A_277, %swap3A_278], %swap3A_281 {strides = array<i32>} : memref<256x256xf32, #tpu.memory_space<vmem>>, vector<1x16xf32>,
      %get3A_282 = arith.index_cast %add3A_74 : i32 to index
      %get3A_283 = arith.constant 224 : index
      %get3A_284 = tpu.vector_load %arg7[%get3A_282, %get3A_283] {strides = array<i32>} : memref<256x256xf32, #tpu.memory_space<vmem>>, vector<1x16xf32>,
      %get3A_285 = vector.shape_cast %get3A_284 : vector<1x16xf32> to vector<16xf32>
      %get3A_286 = arith.index_cast %scan3A_72 : i32 to index
      %get3A_287 = arith.constant 224 : index
      %get3A_288 = tpu.vector_load %arg8[%get3A_286, %get3A_287] {strides = array<i32>} : memref<64x256xf32, #tpu.memory_space<vmem>>, vector<1x16xf32>,
      %get3A_289 = vector.shape_cast %get3A_288 : vector<1x16xf32> to vector<16xf32>
      %sub3A_290 = arith.subf %get3A_285, %get3A_289 : vector<16xf32>
      %add3A_291 = arith.addf %get3A_289, %sub3A_290 : vector<16xf32>
      %swap3A_292 = arith.index_cast %add3A_74 : i32 to index
      %swap3A_293 = arith.constant 224 : index
      %swap3A_294 = tpu.vector_load %arg7[%swap3A_292, %swap3A_293] {strides = array<i32>} : memref<256x256xf32, #tpu.memory_space<vmem>>, vector<1x16xf32>,
      %swap3A_295 = vector.shape_cast %swap3A_294 : vector<1x16xf32> to vector<16xf32>
      %swap3A_296 = vector.shape_cast %add3A_291 : vector<16xf32> to vector<1x16xf32>
      tpu.vector_store %arg7[%swap3A_292, %swap3A_293], %swap3A_296 {strides = array<i32>} : memref<256x256xf32, #tpu.memory_space<vmem>>, vector<1x16xf32>,
      %get3A_297 = arith.index_cast %add3A_74 : i32 to index
      %get3A_298 = arith.constant 240 : index
      %get3A_299 = tpu.vector_load %arg7[%get3A_297, %get3A_298] {strides = array<i32>} : memref<256x256xf32, #tpu.memory_space<vmem>>, vector<1x16xf32>,
      %get3A_300 = vector.shape_cast %get3A_299 : vector<1x16xf32> to vector<16xf32>
      %get3A_301 = arith.index_cast %scan3A_72 : i32 to index
      %get3A_302 = arith.constant 240 : index
      %get3A_303 = tpu.vector_load %arg8[%get3A_301, %get3A_302] {strides = array<i32>} : memref<64x256xf32, #tpu.memory_space<vmem>>, vector<1x16xf32>,
      %get3A_304 = vector.shape_cast %get3A_303 : vector<1x16xf32> to vector<16xf32>
      %sub3A_305 = arith.subf %get3A_300, %get3A_304 : vector<16xf32>
      %add3A_306 = arith.addf %get3A_304, %sub3A_305 : vector<16xf32>
      %swap3A_307 = arith.index_cast %add3A_74 : i32 to index
      %swap3A_308 = arith.constant 240 : index
      %swap3A_309 = tpu.vector_load %arg7[%swap3A_307, %swap3A_308] {strides = array<i32>} : memref<256x256xf32, #tpu.memory_space<vmem>>, vector<1x16xf32>,
      %swap3A_310 = vector.shape_cast %swap3A_309 : vector<1x16xf32> to vector<16xf32>
      %swap3A_311 = vector.shape_cast %add3A_306 : vector<16xf32> to vector<1x16xf32>
      tpu.vector_store %arg7[%swap3A_307, %swap3A_308], %swap3A_311 {strides = array<i32>} : memref<256x256xf32, #tpu.memory_space<vmem>>, vector<1x16xf32>,
    }
    %scan3A_71 = arith.constant 64 : i32
    "tpu.region"() ({
      %run_scoped3A = tpu.sem_alloc : memref<!tpu.dma_semaphore, #tpu.memory_space<semaphore_mem>>
      %dma_start3A_72 = arith.constant 0 : i32
      %dma_start3A_73 = tpu.memref_slice %arg5[%mul3A_2, %dma_start3A_72] : memref<8192x256xf32, #tpu.memory_space<hbm>> -> memref<256x256xf32, #tpu.memory_space<hbm>>
      %dma_start3A_74 = arith.constant 0 : i32
      %dma_start3A_75 = tpu.memref_slice %arg5[%mul3A_2, %dma_start3A_74] : memref<8192x256xf32, #tpu.memory_space<hbm>> -> memref<256x256xf32, #tpu.memory_space<hbm>>
      tpu.enqueue_dma source(%arg7 : memref<256x256xf32, #tpu.memory_space<vmem>>) target(%dma_start3A_75 : memref<256x256xf32, #tpu.memory_space<hbm>>) target_semaphore(%run_scoped3A : memref<!tpu.dma_semaphore, #tpu.memory_space<semaphore_mem>>)
      %dma_wait3A_76 = arith.constant 0 : i32
      %dma_wait3A_77 = tpu.memref_slice %arg5[%mul3A_2, %dma_wait3A_76] : memref<8192x256xf32, #tpu.memory_space<hbm>> -> memref<256x256xf32, #tpu.memory_space<hbm>>
      %dma_wait3A_78 = arith.constant 0 : i32
      %dma_wait3A_79 = tpu.memref_slice %arg5[%mul3A_2, %dma_wait3A_78] : memref<8192x256xf32, #tpu.memory_space<hbm>> -> memref<256x256xf32, #tpu.memory_space<hbm>>
      tpu.wait_dma2 semaphore(%run_scoped3A : memref<!tpu.dma_semaphore, #tpu.memory_space<semaphore_mem>>) src(%arg7 : memref<256x256xf32, #tpu.memory_space<vmem>>) dst(%dma_wait3A_79 : memref<256x256xf32, #tpu.memory_space<hbm>>)
      tpu.yield
    }) : () -> ()
    return
  }
}

module attributes {stable_mosaic.version = 14 : i64} {
  func.func @_argmin_body(%arg0: i32, %arg1: memref<256x1xf32, #tpu.memory_space<vmem>>, %arg2: memref<1x8192xf32, #tpu.memory_space<vmem>>, %arg3: memref<256x256xf32, #tpu.memory_space<vmem>>, %arg4: memref<8192x256xf32, #tpu.memory_space<vmem>>, %arg5: memref<1x1x256xi32, #tpu.memory_space<vmem>>, %arg6: memref<1x1xf32, #tpu.memory_space<smem>>) attributes {dimension_semantics = [#tpu.dimension_semantics<arbitrary>], iteration_bounds = array<i64: 32>, scalar_prefetch = 0 : i64, scratch_operands = 0 : i64, tpu.core_type = #tpu.core_type<tc>, window_params = [{transform_indices = @transform_0, window_bounds = array<i64: 256, 1>}, {pipeline_mode = #tpu.pipeline_mode<synchronous>, transform_indices = @transform_1, window_bounds = array<i64: 1, 8192>}, {transform_indices = @transform_2, window_bounds = array<i64: 256, 256>}, {pipeline_mode = #tpu.pipeline_mode<synchronous>, transform_indices = @transform_3, window_bounds = array<i64: 8192, 256>}, {transform_indices = @transform_4, window_bounds = array<i64: 1, 1, 256>}, {transform_indices = @transform_5, window_bounds = array<i64: 1, 1>}]} {
    %get3A = arith.constant 0 : index
    %get3A_0 = arith.constant 0 : index
    %get3A_1 = vector.load %arg3[%get3A, %get3A_0] : memref<256x256xf32, #tpu.memory_space<vmem>>, vector<256x256xf32>
    %get3A_2 = arith.constant 0 : index
    %get3A_3 = arith.constant 0 : index
    %get3A_4 = vector.load %arg4[%get3A_2, %get3A_3] : memref<8192x256xf32, #tpu.memory_space<vmem>>, vector<8192x256xf32>
    %dot_general3A = arith.constant dense<0.000000e+00> : vector<256x8192xf32>
    %dot_general3A_5 = tpu.matmul %get3A_1, %get3A_4, %dot_general3A {dimension_numbers = #tpu.dot_dimension_numbers<[1], [1], [0], [0], [0, 0, 1, 0], [], []>, transpose_lhs_hint = false} : vector<256x256xf32>, vector<8192x256xf32>, vector<256x8192xf32> -> vector<256x8192xf32>
    %get3A_6 = arith.constant 0 : index
    %get3A_7 = arith.constant 0 : index
    %get3A_8 = vector.load %arg1[%get3A_6, %get3A_7] : memref<256x1xf32, #tpu.memory_space<vmem>>, vector<256x1xf32>
    %get3A_9 = arith.constant 0 : index
    %get3A_10 = arith.constant 0 : index
    %get3A_11 = vector.load %arg2[%get3A_9, %get3A_10] : memref<1x8192xf32, #tpu.memory_space<vmem>>, vector<1x8192xf32>
    %add3A = vector.broadcast %get3A_8 : vector<256x1xf32> to vector<256x8192xf32>
    %add3A_12 = vector.broadcast %get3A_11 : vector<1x8192xf32> to vector<256x8192xf32>
    %add3A_13 = arith.addf %add3A, %add3A_12 : vector<256x8192xf32>
    %mul3A = arith.constant 2.000000e+00 : f32
    %mul3A_14 = vector.broadcast %mul3A : f32 to vector<256x8192xf32>
    %mul3A_15 = arith.mulf %mul3A_14, %dot_general3A_5 : vector<256x8192xf32>
    %sub3A = arith.subf %add3A_13, %mul3A_15 : vector<256x8192xf32>
    %reduce_min3A = arith.constant dense<0x7F800000> : vector<256xf32>
    %reduce_min3A_16 = vector.multi_reduction <minimumf>, %sub3A, %reduce_min3A [1] : vector<256x8192xf32> to vector<256xf32>
    %broadcast_in_dim3A = vector.shape_cast %reduce_min3A_16 : vector<256xf32> to vector<256x1xf32>
    %iota3A = tpu.iota {dimensions = array<i32: 1>} : vector<256x8192xi32>
    %eq3A = vector.broadcast %broadcast_in_dim3A : vector<256x1xf32> to vector<256x8192xf32>
    %eq3A_17 = arith.cmpf oeq, %sub3A, %eq3A : vector<256x8192xf32>
    %jit3A = arith.constant 8192 : i32
    %broadcast_in_dim3A_18 = vector.broadcast %jit3A : i32 to vector<256x8192xi32>
    %select_n3A = arith.select %eq3A_17, %iota3A, %broadcast_in_dim3A_18 : vector<256x8192xi1>, vector<256x8192xi32>
    %reduce_min3A_19 = arith.constant dense<2147483647> : vector<256xi32>
    %reduce_min3A_20 = vector.multi_reduction <minsi>, %select_n3A, %reduce_min3A_19 [1] : vector<256x8192xi32> to vector<256xi32>
    %swap3A = arith.constant 0 : index
    %swap3A_21 = arith.constant 0 : index
    %swap3A_22 = arith.constant 0 : index
    %swap3A_23 = vector.load %arg5[%swap3A, %swap3A_21, %swap3A_22] : memref<1x1x256xi32, #tpu.memory_space<vmem>>, vector<1x1x256xi32>
    %swap3A_24 = vector.shape_cast %swap3A_23 : vector<1x1x256xi32> to vector<256xi32>
    %swap3A_25 = vector.shape_cast %reduce_min3A_20 : vector<256xi32> to vector<1x1x256xi32>
    tpu.vector_store %arg5[%swap3A, %swap3A_21, %swap3A_22], %swap3A_25 {strides = array<i32>} : memref<1x1x256xi32, #tpu.memory_space<vmem>>, vector<1x1x256xi32>,
    %eq3A_26 = arith.constant 0 : i32
    %eq3A_27 = arith.cmpi eq, %arg0, %eq3A_26 : i32
    %convert_element_type3A = arith.extui %eq3A_27 : i1 to i32
    %cond3A = arith.constant 0 : i32
    %cond3A_28 = arith.cmpi ne, %convert_element_type3A, %cond3A : i32
    scf.if %cond3A_28 {
      %swap3A_40 = arith.constant 0.000000e+00 : f32
      %swap3A_41 = arith.constant 0 : index
      %swap3A_42 = arith.constant 0 : index
      %swap3A_43 = memref.load %arg6[%swap3A_41, %swap3A_42] : memref<1x1xf32, #tpu.memory_space<smem>>
      memref.store %swap3A_40, %arg6[%swap3A_41, %swap3A_42] : memref<1x1xf32, #tpu.memory_space<smem>>
    } else {
    }
    %get3A_29 = arith.constant 0 : index
    %get3A_30 = arith.constant 0 : index
    %get3A_31 = memref.load %arg6[%get3A_29, %get3A_30] : memref<1x1xf32, #tpu.memory_space<smem>>
    %reduce_sum3A = vector.shape_cast %broadcast_in_dim3A : vector<256x1xf32> to vector<1x256x1xf32>
    %reduce_sum3A_32 = arith.constant dense<0.000000e+00> : vector<1xf32>
    %reduce_sum3A_33 = vector.multi_reduction <add>, %reduce_sum3A, %reduce_sum3A_32 [1, 2] : vector<1x256x1xf32> to vector<1xf32>
    %reduce_sum3A_34 = vector.shape_cast %reduce_sum3A_33 : vector<1xf32> to vector<1x1x1xf32>
    %reduce_sum3A_35 = vector.extract %reduce_sum3A_34[0, 0, 0] : f32 from vector<1x1x1xf32>
    %add3A_36 = arith.addf %get3A_31, %reduce_sum3A_35 : f32
    %swap3A_37 = arith.constant 0 : index
    %swap3A_38 = arith.constant 0 : index
    %swap3A_39 = memref.load %arg6[%swap3A_37, %swap3A_38] : memref<1x1xf32, #tpu.memory_space<smem>>
    memref.store %add3A_36, %arg6[%swap3A_37, %swap3A_38] : memref<1x1xf32, #tpu.memory_space<smem>>
    return
  }
  func.func @transform_0(%arg0: i32) -> (i32, i32) {
    %c0_i32 = arith.constant 0 : i32
    %c0_i32_0 = arith.constant 0 : i32
    return %arg0, %c0_i32 : i32, i32
  }
  func.func @transform_1(%arg0: i32) -> (i32, i32) {
    %c0_i32 = arith.constant 0 : i32
    %c0_i32_0 = arith.constant 0 : i32
    %c0_i32_1 = arith.constant 0 : i32
    return %c0_i32, %c0_i32_0 : i32, i32
  }
  func.func @transform_2(%arg0: i32) -> (i32, i32) {
    %c0_i32 = arith.constant 0 : i32
    %c0_i32_0 = arith.constant 0 : i32
    return %arg0, %c0_i32 : i32, i32
  }
  func.func @transform_3(%arg0: i32) -> (i32, i32) {
    %c0_i32 = arith.constant 0 : i32
    %c0_i32_0 = arith.constant 0 : i32
    %c0_i32_1 = arith.constant 0 : i32
    return %c0_i32, %c0_i32_0 : i32, i32
  }
  func.func @transform_4(%arg0: i32) -> (i32, i32, i32) {
    %c0_i32 = arith.constant 0 : i32
    %c0_i32_0 = arith.constant 0 : i32
    %c0_i32_1 = arith.constant 0 : i32
    return %arg0, %c0_i32, %c0_i32_0 : i32, i32, i32
  }
  func.func @transform_5(%arg0: i32) -> (i32, i32) {
    %c0_i32 = arith.constant 0 : i32
    %c0_i32_0 = arith.constant 0 : i32
    %c0_i32_1 = arith.constant 0 : i32
    return %c0_i32, %c0_i32_0 : i32, i32
  }
}

</mosaic_0001>

<sc_bundles>
// kernel: kernel.4.cloned.1.call-start
scs
__scs_entry_jumppad:
0x0: {  	(pc) =	sbr.rel $0x88, $3  }
0x1: {  	(tag) =	ssettag $0x0;
	lr =	simm.s32 $0x1  }
0x2: {  	[smem:$0x3F9F] =	sst lr;
	_ =	strace $0xD0000000  }
0x3: {  	_ = 	snop  }
0x4: {  	_ = 	snop  }
0x5: {  	_ = 	snop  }
0x6: {  	_ = 	snop  }
0x7: {  	_ = 	snop  }
__scs_overlays_trampoline_lowered:
0x8: {  	[smem:$0x3FAE] =	sst s0  }
0x9: {  	[smem:$0x3FAF] =	sst s1  }
0xa: {  	[smem:$0x3FB0] =	sst s2  }
0xb: {  	[smem:$0x3FB1] =	sst s3  }
0xc: {  	[smem:$0x3FB2] =	sst s4  }
0xd: {  	[smem:$0x3FB3] =	sst s5  }
0xe: {  	[smem:$0x3FB4] =	sst s6  }
0xf: {  	[smem:$0x3FB5] =	sst s7  }
0x10: {  	[smem:$0x3FB6] =	sst s8  }
0x11: {  	[smem:$0x3FB7] =	sst s9;
	s0 =	simm.s32 @!p0 $0x0  }
0x12: {  	s1 =	sld [smem:$0x3F9D];
	s0 =	simm.s32 @p0 $0x1  }
0x13: {  	[smem:$0x3FB8] =	sst s0;
	s0 =	simm.s32 @!p1 $0x0  }
0x14: {  	s2 =	sld [smem:$0x3F9C];
	s0 =	simm.s32 @p1 $0x1  }
0x15: {  	[smem:$0x3FB9] =	sst s0;
	s0 =	simm.s32 @!p2 $0x0  }
0x16: {  	s3 =	sld [smem:$0x3FDB];
	s0 =	simm.s32 @p2 $0x1  }
0x17: {  	s4 =	simm.s32 $0x1BF5;
	[smem:$0x3FBB] =	sst s0  }
0x18: {  	s0 =	sld [smem:$0x3F9E];
	_ =	swait.ge [sflag:s4], $0x0  }
0x19: {  	s7 =	sld [smem:$0x3F9F]  }
0x1a: {  	s8 =	sadd.s32 $0xFFFFE003, lr  }
0x1b: {  	s9 =	sadd.s32 $0xFFFFFEF7, lr;
	s5 =	simm.s32 $0xFFFFFFFF;
	p2 =	slt.u32 s8, $0xFFFFF086  }
0x1c: {  	p1 =	slt.u32 s9, $0xF7A;
	s5 =	simm.s32 @!p2 $0x0  }
0x1d: {  	s5 =	simm.s32 @p1 $0x1;
	p0 =	seq.s32 s7, s2  }
0x1e: {  	s7 =	smul.u32 @!p0 $0xF7A, s2;
	p2 =	seq.s32 @!p0 s5, $0x0  }
0x1f: {  	s9 =	smul.u32 $0xF7A, s1;
	s8 =	simm.s32 @!p0 $0x1BF5;
	p2 =	por !p2, p0  }
0x20: {  	[sflag:s8] =	ssyncset.s32 @!p0 $0xFFFFF086;
	s6 =	sadd.s32 @!p0 s3, s7;
	s7 =	simm.s32 @!p0 $0x108  }
0x21: {  	s3 =	sadd.s32 s3, s9;
	s6 =	sadd.s32 @!p0 $0x88, s6;
	s7 =	simm.s32 @p2 $0x1082  }
0x22: {  	[simem:s7], [sflag:s8] =	dma.local @!p0 [hbm:s6], $0xF7A  }
0x23: {  	s9 =	sor.u32 $0xD0000000, s2;
	s6 =	simm.s32 $0x108;
	_ =	swait.ge @!p0 [sflag:s8], $0x0  }
0x24: {  	s3 =	sadd.s32 $0x88, s3;
	s6 =	simm.s32 @!p1 $0x1082;
	[sflag:s4] =	ssyncset.s32 $0xFFFFF086  }
0x25: {  	[simem:s6], [sflag:s4] =	dma.local [hbm:s3], $0xF7A  }
0x26: {  	[smem:$0x3F9F] =	sst s1;
	(tag) =	ssettag s2;
	_ =	strace s9  }
0x27: {  	s1 =	sld [smem:$0x3FAF]  }
0x28: {  	s2 =	sld [smem:$0x3FB0]  }
0x29: {  	s4 =	sld [smem:$0x3FB2]  }
0x2a: {  	p0 =	seq.s32 s5, $0x0;
	s5 =	sld [smem:$0x3FB3]  }
0x2b: {  	s6 =	sld [smem:$0x3FB4]  }
0x2c: {  	s7 =	sld [smem:$0x3FB5]  }
0x2d: {  	s3 =	simm.s32 $0x108;
	s8 =	sld [smem:$0x3FB6]  }
0x2e: {  	s3 =	simm.s32 @!p0 $0x1082;
	s9 =	sld [smem:$0x3FB7]  }
0x2f: {  	lr =	sadd.s32 s0, s3;
	s0 =	sld [smem:$0x3FAE]  }
0x30: {  	s3 =	sld [smem:$0x3FB1]  }
0x31: {  	[smem:$0x3FBA] =	sst s10  }
0x32: {  	s10 =	sld [smem:$0x3FB8];
	_ =	sdelay $0x3  }
0x33: {  	p0 =	seq.s32 s10, $0x1;
	s10 =	sld [smem:$0x3FBA];
	_ =	sdelay $0x3  }
0x34: {  	[smem:$0x3FBA] =	sst s10  }
0x35: {  	s10 =	sld [smem:$0x3FB9];
	_ =	sdelay $0x3  }
0x36: {  	p1 =	seq.s32 s10, $0x1;
	s10 =	sld [smem:$0x3FBA];
	_ =	sdelay $0x3  }
0x37: {  	[smem:$0x3FBA] =	sst s10  }
0x38: {  	s10 =	sld [smem:$0x3FBB]  }
0x39: {  	_ = 	snop;
	(pc) =	sbr.ind lr, $3  }
0x3a: {  	_ = 	snop  }
0x3b: {  	_ = 	snop  }
0x3c: {  	p2 =	seq.s32 s10, $0x1;
	s10 =	sld [smem:$0x3FBA]  }
0x3d: {  	_ =	shalt  }
0x3e: {  	_ =	shalt  }
0x3f: {  	_ =	shalt  }
0x40: {  	_ =	shalt  }
0x41: {  	_ =	shalt  }
0x42: {  	_ =	shalt  }
0x43: {  	_ =	shalt  }
0x44: {  	_ =	shalt  }
0x45: {  	_ =	shalt  }
0x46: {  	_ =	shalt  }
0x47: {  	_ =	shalt  }
0x48: {  	_ =	shalt  }
0x49: {  	_ =	shalt  }
0x4a: {  	_ =	shalt  }
0x4b: {  	_ =	shalt  }
0x4c: {  	_ =	shalt  }
0x4d: {  	_ =	shalt  }
0x4e: {  	_ =	shalt  }
0x4f: {  	_ =	shalt  }
0x50: {  	_ =	shalt  }
0x51: {  	_ =	shalt  }
0x52: {  	_ =	shalt  }
0x53: {  	_ =	shalt  }
0x54: {  	_ =	shalt  }
0x55: {  	_ =	shalt  }
0x56: {  	_ =	shalt  }
0x57: {  	_ =	shalt  }
0x58: {  	_ =	shalt  }
0x59: {  	_ =	shalt  }
0x5a: {  	_ =	shalt  }
0x5b: {  	_ =	shalt  }
0x5c: {  	_ =	shalt  }
0x5d: {  	_ =	shalt  }
0x5e: {  	_ =	shalt  }
0x5f: {  	_ =	shalt  }
0x60: {  	_ =	shalt  }
0x61: {  	_ =	shalt  }
0x62: {  	_ =	shalt  }
0x63: {  	_ =	shalt  }
0x64: {  	_ =	shalt  }
0x65: {  	_ =	shalt  }
0x66: {  	_ =	shalt  }
0x67: {  	_ =	shalt  }
0x68: {  	_ =	shalt  }
0x69: {  	_ =	shalt  }
0x6a: {  	_ =	shalt  }
0x6b: {  	_ =	shalt  }
0x6c: {  	_ =	shalt  }
0x6d: {  	_ =	shalt  }
0x6e: {  	_ =	shalt  }
0x6f: {  	_ =	shalt  }
0x70: {  	_ =	shalt  }
0x71: {  	_ =	shalt  }
0x72: {  	_ =	shalt  }
0x73: {  	_ =	shalt  }
0x74: {  	_ =	shalt  }
0x75: {  	_ =	shalt  }
0x76: {  	_ =	shalt  }
0x77: {  	_ =	shalt  }
0x78: {  	_ =	shalt  }
0x79: {  	_ =	shalt  }
0x7a: {  	_ =	shalt  }
0x7b: {  	_ =	shalt  }
0x7c: {  	_ =	shalt  }
0x7d: {  	_ =	shalt  }
0x7e: {  	_ =	shalt  }
0x7f: {  	_ =	shalt  }
0x80: {  	_ =	shalt  }
0x81: {  	_ =	shalt  }
0x82: {  	_ =	shalt  }
0x83: {  	_ =	shalt  }
0x84: {  	_ =	shalt  }
0x85: {  	_ =	shalt  }
0x86: {  	_ =	shalt  }
0x87: {  	_ =	shalt  }
.Lfunc_end0:
.L_simem_size_0:
called_computation_lowered:
.L_overlay_start_0:
0x88: {  	s2 =	sld [smem:$0x3FD9]  }
0x89: {  	s3 =	sld [smem:$0x3FFE];
	_ =	sdelay $0x1  }
0x8a: {  	s1 =	srdreg.scid  }
0x8b: {  	s0 =	sand.u32 $0x1, s1  }
0x8c: {  	s14 =	sshll.u32 s0, $0xA;
	s2 =	sadd.s32 s3, s2  }
0x8d: {  	s2 =	sadd.s32 s2, s14  }
0x8e: {  	[smem:$0x3FC6] =	sst s2  }
0x8f: {  	_ = 	snop  }
0x90: {  	s2 =	sld [smem:$0x3FD0];
	_ =	sdelay $0x1  }
0x91: {  	s15 =	sld [smem:$0x3FC9]  }
0x92: {  	s5 =	simm.s32 $0xA;
	s6 =	simm.s32 $0x10;
	s4 =	sld [smem:$0x3FC8]  }
0x93: {  	[smem:s6], [sflag:s5] =	dma.local [hbm:s2], $0x1  }
0x94: {  	_ =	swait.eq [sflag:s5], $0x1  }
0x95: {  	[sflag:s5] =	ssyncset.done $0x0  }
0x96: {  	[sflag:s5] =	ssyncadd.s32 $0xFFFFFFFF  }
0x97: {  	s16 =	sld [smem:$0x10];
	(tm) =	ssettm $0x1  }
0x98: {  	s17 =	sld [smem:$0x3FFB];
	_ =	sdelay $0x3  }
0x99: {  	_ =	strace s17  }
0x9a: {  	s5 =	sld [smem:$0x3FFC];
	_ =	sdelay $0x3  }
0x9b: {  	_ =	strace s5  }
0x9c: {  	s5 =	sld [smem:$0x3FFD];
	_ =	sdelay $0x3  }
0x9d: {  	_ =	strace s5  }
0x9e: {  	_ =	strace $0x8FFFFFFF  }
0x9f: {  	s18 =	sld [smem:$0x3FDB];
	_ =	sdelay $0x1  }
0xa0: {  	s19 =	simm.s32 $_scs_section_size  }
0xa1: {  	s7 =	simm.s32 $_size__tile_overlayer_lowered;
	s8 =	simm.s32 $_tile_overlayer_lowered  }
0xa2: {  	s22 =	simm.s32 $0x1BFF;
	s21 =	sshll.u32 s8, $0x1;
	s5 =	sadd.s32 s19, s18  }
0xa3: {  	s9 =	simm.s32 $0x0;
	s20 =	sshll.u32 s7, $0x1;
	s7 =	sadd.s32 s21, s5  }
0xa4: {  	[timem:s9], [sflag:s22] =	dma.local [hbm:s7], s20  }
0xa5: {  	_ =	swait.ge [sflag:s22], s20  }
0xa6: {  	s6 =	ssub.s32 $0x0, s20;
	[sflag:s22] =	ssyncset.done $0x0  }
0xa7: {  	[sflag:s22] =	ssyncadd.s32 s6;
	_ =	sdelay $0x1  }
0xa8: {  	s23 =	simm.s32 $0x1B8B  }
0xa9: {  	_ =	swait.ge [sflag:s23], $0x1  }
0xaa: {  	[sflag:s23] =	ssyncset.done $0x0  }
0xab: {  	s25 =	simm.s32 $0x1B8E;
	s24 =	sld [smem:$0x3FFE];
	[sflag:s23] =	ssyncadd.s32 $0xFFFFFFFF  }
0xac: {  	s26 =	simm.s32 $execute0_lowered;
	[smem:$0x3FD2] =	sst s25  }
0xad: {  	s7 =	sshll.u32 s26, $0x1;
	_ =	strace $0x80000046;
	[dreg:$0x1] =	wrdreg $0xFFFFFFFF  }
0xae: {  	s28 =	simm.s32 $_size_execute0_lowered;
	s5 =	sadd.s32 s5, s7;
	[dreg:$0x0] =	wrdreg $0x0  }
0xaf: {  	s7 =	sshll.u32 s28, $0x1;
	[dreg:$0x2] =	wrdreg s5  }
0xb0: {  	[dreg:$0x3] =	wrdreg s7  }
0xb1: {  	[dreg:$0x4] =	wrdreg $0xC0  }
0xb2: {  	_ =	task [dreg:s9], $0x5FFFF  }
0xb3: {  	[dreg:$0x1] =	wrdreg $0xFFFFFFFF  }
0xb4: {  	[dreg:$0x0] =	wrdreg $0x60  }
0xb5: {  	[dreg:$0x2] =	wrdreg s4  }
0xb6: {  	[dreg:$0x3] =	wrdreg s24  }
0xb7: {  	[dreg:$0x4] =	wrdreg s15  }
0xb8: {  	[dreg:$0x5] =	wrdreg s16  }
0xb9: {  	[dreg:$0x6] =	wrdreg $0x9  }
0xba: {  	_ =	task.clear_ibuf [dreg:s9], $0x7FFFF;
	_ =	strace $0x90000046  }
0xbb: {  	s29 =	simm.s32 $0x9;
	_ =	strace $0x80000048  }
0xbc: {  	_ =	swait.ge [sflag:s29], $0x1  }
0xbd: {  	[sflag:s29] =	ssyncadd.s32 $0xFFFFFFFF  }
0xbe: {  	_ =	strace $0x90000048  }
0xbf: {  	_ =	sfence  }
0xc0: {  	s30 =	sld [smem:$0x0];
	_ =	sdelay $0x2  }
0xc1: {  	s31 =	sshll.u32 s1, $0xD;
	s1 =	sshrl.u32 s1, $0x2  }
0xc2: {  	s3 =	sand.u32 $0x4000, s31;
	s1 =	sadd.s32 s1, s30  }
0xc3: {  	s0 =	sor.u32 s3, s0;
	s1 =	sshll.u32 s1, $0x11  }
0xc4: {  	s0 =	sor.u32 s1, s0  }
0xc5: {  	s0 =	sadd.s32 $0x8F2B, s0  }
0xc6: {  	[sflag:s0] =	ssyncadd.remote.s32 $0x1  }
0xc7: {  	_ =	sfence.sel $0xFFFF  }
0xc8: {  	[dreg:$0x0] =	wrdreg $0xFFFFFFFF;
	(pc) =	sbr.abs _section_cstart, $3  }
0xc9: {  	[dreg:$0x1] =	wrdreg $0xFFFFFFFF  }
0xca: {  	_ =	task.clear_ibuf [dreg:s9], $0x2FFFF;
	_ =	strace $0x9FFFFFFF  }
0xcb: {  	(tm) =	ssettm $0x7FFFFFFF  }
tec
execute0_lowered:
.L_overlay_start_1:
0x0: {  	(tag) =	ssettag $0x1  }
0x1: {  	s1 =	rddreg [dreg:$0x0]  }
0x2: {  	s0 =	rddreg [dreg:$0x1]  }
0x3: {  	s2 =	rddreg [dreg:$0x2]  }
0x4: {  	s9 =	rddreg [dreg:$0x3]  }
0x5: {  	s4 =	srdreg.scid;
	s3 =	simm.s32 $0x0;
	s5 =	stileid.u32  }
0x6: {  	s12 =	simm.s32 $0x100;
	s13 =	simm.s32 $0xA900;
	s14 =	simm.s32 $0xB100  }
0x7: {  	s15 =	simm.s32 $0xB900;
	s16 =	simm.s32 $0xC100;
	s17 =	simm.s32 $0xC900  }
0x8: {  	s18 =	simm.s32 $0xD100;
	s19 =	simm.s32 $0xD900;
	s20 =	simm.s32 $0xE100  }
0x9: {  	s21 =	simm.s32 $0xE900;
	s22 =	simm.s32 $0xF100;
	s23 =	simm.s32 $0xF900  }
0xa: {  	s24 =	simm.s32 $0x1;
	s25 =	simm.s32 $0x10100;
	s4 =	sand.u32 $0x1, s4  }
0xb: {  	s26 =	simm.s32 $0x0;
	s5 =	sshll.u32 s5, $0x9;
	s6 =	sshll.u32 s4, $0x8  }
0xc: {  	[smem:$0x7FF] =	sst s3;
	s4 =	ssub.s32 $0x2, s4;
	s5 =	sor.u32 s6, s5  }
0xd: {  	_ =	strace $0x80000047;
	s7 =	sshrl.u32 s4, $0x1;
	s6 =	sshrl.u32 s5, $0x3  }
0xe: {  	s10 =	sshll.u32 s5, $0x5;
	s11 =	ssub.s32 s4, s7;
	s0 =	sadd.s32 s6, s0  }
0xf: {  	v2 =	vlaneseq.u32;
	s4 =	sadd.s32 s2, s10;
	s9 =	sadd.s32 s9, s10;
	s10 =	smax.u32 s11, $0x1  }
0x10: {  	vm0 =	vmmov $0xffff;
	v1 =	vshrl.u32 v2, $0x3;
	s11 =	simm.s32 $0x2;
	s2 =	simm.s32 $0xA100;
	s5 =	sadd.s32 $0x800, s0  }
0x11: {  	v0 =	vand.u32 $0x7, v2;
	v2 =	vor.u32 $0x8, v2;
	v1 =	vmul.u32 $0x8, v1;
	s6 =	sadd.s32 $0x800, s4;
	s7 =	sadd.s32 $0x1000, s4;
	s8 =	sadd.s32 $0x1800, s4  }
.LBB2_1:
0x12: {  	[tilespmem:s3], [sflag:$0x2] =	stream.linear.gather [hbm4b:s5+s3], $0x100, $0x38;
	[tilespmem:$0x14100] =	vst v63  }
0x13: {  	_ =	swait.ge [sflag:s11], $0x100  }
0x14: {  	[sflag:s11] =	ssyncset.done $0x0  }
0x15: {  	[sflag:s11] =	ssyncadd.s32 $0xFFFFFF00  }
0x16: {  	v3 =	vld [tilespmem:$0x0];
	_ =	sdelay $0x4  }
0x17: {  	v4 =	vshll.u32 v3, $0x1  }
0x18: {  	v3 =	vand.u32 $0x7, v3;
	v4 =	vand.u32 $0xFFFFFFF0, v4  }
0x19: {  	v3 =	vor.u32 v3, v4  }
0x1a: {  	v4 =	vperm.xlane v3, v0;
	_ =	sdelay $0x1  }
0x1b: {  	v3 =	vperm.xlane v3, v2;
	v4 =	vadd.s32 v1, v4;
	_ =	sdelay $0x1  }
0x1c: {  	v3 =	vadd.s32 v1, v3;
	_ =	sdelay $0x2  }
0x1d: {  	[tilespmem:s12], [sflag:$0x1] =	stream.indirect_vreg.gather [hbm4b:s1+s3], $0x80, v4, vm0, $0xb8;
	[tilespmem:$0x14100] =	vst v63  }
0x1e: {  	s0 =	simm.s32 $0x900  }
0x1f: {  	[tilespmem:s0], [sflag:$0x1] =	stream.indirect_vreg.gather [hbm4b:s1+s3], $0x80, v3, vm0, $0xb8;
	[tilespmem:$0x14100] =	vst v63  }
0x20: {  	v3 =	vld [tilespmem:$0x10];
	_ =	sdelay $0x4  }
0x21: {  	v4 =	vshll.u32 v3, $0x1  }
0x22: {  	v3 =	vand.u32 $0x7, v3;
	v4 =	vand.u32 $0xFFFFFFF0, v4  }
0x23: {  	v3 =	vor.u32 v3, v4  }
0x24: {  	v4 =	vperm.xlane v3, v0;
	_ =	sdelay $0x1  }
0x25: {  	v3 =	vperm.xlane v3, v2;
	v4 =	vadd.s32 v1, v4;
	_ =	sdelay $0x1  }
0x26: {  	v3 =	vadd.s32 v1, v3;
	_ =	sdelay $0x1  }
0x27: {  	s31 =	simm.s32 $0x1100  }
0x28: {  	[tilespmem:s31], [sflag:$0x1] =	stream.indirect_vreg.gather [hbm4b:s1+s3], $0x80, v4, vm0, $0xb8;
	[tilespmem:$0x14100] =	vst v63  }
0x29: {  	s31 =	simm.s32 $0x1900  }
0x2a: {  	[tilespmem:s31], [sflag:$0x1] =	stream.indirect_vreg.gather [hbm4b:s1+s3], $0x80, v3, vm0, $0xb8;
	[tilespmem:$0x14100] =	vst v63  }
0x2b: {  	v3 =	vld [tilespmem:$0x20];
	_ =	sdelay $0x4  }
0x2c: {  	v4 =	vshll.u32 v3, $0x1  }
0x2d: {  	v3 =	vand.u32 $0x7, v3;
	v4 =	vand.u32 $0xFFFFFFF0, v4  }
0x2e: {  	v3 =	vor.u32 v3, v4  }
0x2f: {  	v4 =	vperm.xlane v3, v0;
	_ =	sdelay $0x1  }
0x30: {  	v3 =	vperm.xlane v3, v2;
	v4 =	vadd.s32 v1, v4;
	_ =	sdelay $0x1  }
0x31: {  	v3 =	vadd.s32 v1, v3;
	_ =	sdelay $0x1  }
0x32: {  	s31 =	simm.s32 $0x2100  }
0x33: {  	[tilespmem:s31], [sflag:$0x1] =	stream.indirect_vreg.gather [hbm4b:s1+s3], $0x80, v4, vm0, $0xb8;
	[tilespmem:$0x14100] =	vst v63  }
0x34: {  	s31 =	simm.s32 $0x2900  }
0x35: {  	[tilespmem:s31], [sflag:$0x1] =	stream.indirect_vreg.gather [hbm4b:s1+s3], $0x80, v3, vm0, $0xb8;
	[tilespmem:$0x14100] =	vst v63  }
0x36: {  	v3 =	vld [tilespmem:$0x30];
	_ =	sdelay $0x4  }
0x37: {  	v4 =	vshll.u32 v3, $0x1  }
0x38: {  	v3 =	vand.u32 $0x7, v3;
	v4 =	vand.u32 $0xFFFFFFF0, v4  }
0x39: {  	v3 =	vor.u32 v3, v4  }
0x3a: {  	v4 =	vperm.xlane v3, v0;
	_ =	sdelay $0x1  }
0x3b: {  	v3 =	vperm.xlane v3, v2;
	v4 =	vadd.s32 v1, v4;
	_ =	sdelay $0x1  }
0x3c: {  	v3 =	vadd.s32 v1, v3;
	_ =	sdelay $0x1  }
0x3d: {  	s31 =	simm.s32 $0x3100  }
0x3e: {  	[tilespmem:s31], [sflag:$0x1] =	stream.indirect_vreg.gather [hbm4b:s1+s3], $0x80, v4, vm0, $0xb8;
	[tilespmem:$0x14100] =	vst v63  }
0x3f: {  	s31 =	simm.s32 $0x3900  }
0x40: {  	[tilespmem:s31], [sflag:$0x1] =	stream.indirect_vreg.gather [hbm4b:s1+s3], $0x80, v3, vm0, $0xb8;
	[tilespmem:$0x14100] =	vst v63  }
0x41: {  	v3 =	vld [tilespmem:$0x40];
	_ =	sdelay $0x4  }
0x42: {  	v4 =	vshll.u32 v3, $0x1  }
0x43: {  	v3 =	vand.u32 $0x7, v3;
	v4 =	vand.u32 $0xFFFFFFF0, v4  }
0x44: {  	v3 =	vor.u32 v3, v4  }
0x45: {  	v4 =	vperm.xlane v3, v0;
	_ =	sdelay $0x1  }
0x46: {  	v3 =	vperm.xlane v3, v2;
	v4 =	vadd.s32 v1, v4;
	_ =	sdelay $0x1  }
0x47: {  	v3 =	vadd.s32 v1, v3;
	_ =	sdelay $0x1  }
0x48: {  	s31 =	simm.s32 $0x4100  }
0x49: {  	[tilespmem:s31], [sflag:$0x1] =	stream.indirect_vreg.gather [hbm4b:s1+s3], $0x80, v4, vm0, $0xb8;
	[tilespmem:$0x14100] =	vst v63  }
0x4a: {  	s31 =	simm.s32 $0x4900  }
0x4b: {  	[tilespmem:s31], [sflag:$0x1] =	stream.indirect_vreg.gather [hbm4b:s1+s3], $0x80, v3, vm0, $0xb8;
	[tilespmem:$0x14100] =	vst v63  }
0x4c: {  	v3 =	vld [tilespmem:$0x50];
	_ =	sdelay $0x4  }
0x4d: {  	v4 =	vshll.u32 v3, $0x1  }
0x4e: {  	v3 =	vand.u32 $0x7, v3;
	v4 =	vand.u32 $0xFFFFFFF0, v4  }
0x4f: {  	v3 =	vor.u32 v3, v4  }
0x50: {  	v4 =	vperm.xlane v3, v0;
	_ =	sdelay $0x1  }
0x51: {  	v3 =	vperm.xlane v3, v2;
	v4 =	vadd.s32 v1, v4;
	_ =	sdelay $0x1  }
0x52: {  	v3 =	vadd.s32 v1, v3;
	_ =	sdelay $0x1  }
0x53: {  	s31 =	simm.s32 $0x5100  }
0x54: {  	[tilespmem:s31], [sflag:$0x1] =	stream.indirect_vreg.gather [hbm4b:s1+s3], $0x80, v4, vm0, $0xb8;
	[tilespmem:$0x14100] =	vst v63  }
0x55: {  	s31 =	simm.s32 $0x5900  }
0x56: {  	[tilespmem:s31], [sflag:$0x1] =	stream.indirect_vreg.gather [hbm4b:s1+s3], $0x80, v3, vm0, $0xb8;
	[tilespmem:$0x14100] =	vst v63  }
0x57: {  	v3 =	vld [tilespmem:$0x60];
	_ =	sdelay $0x4  }
0x58: {  	v4 =	vshll.u32 v3, $0x1  }
0x59: {  	v3 =	vand.u32 $0x7, v3;
	v4 =	vand.u32 $0xFFFFFFF0, v4  }
0x5a: {  	v3 =	vor.u32 v3, v4  }
0x5b: {  	v4 =	vperm.xlane v3, v0;
	_ =	sdelay $0x1  }
0x5c: {  	v3 =	vperm.xlane v3, v2;
	v4 =	vadd.s32 v1, v4;
	_ =	sdelay $0x1  }
0x5d: {  	v3 =	vadd.s32 v1, v3;
	_ =	sdelay $0x1  }
0x5e: {  	s31 =	simm.s32 $0x6100  }
0x5f: {  	[tilespmem:s31], [sflag:$0x1] =	stream.indirect_vreg.gather [hbm4b:s1+s3], $0x80, v4, vm0, $0xb8;
	[tilespmem:$0x14100] =	vst v63  }
0x60: {  	s31 =	simm.s32 $0x6900  }
0x61: {  	[tilespmem:s31], [sflag:$0x1] =	stream.indirect_vreg.gather [hbm4b:s1+s3], $0x80, v3, vm0, $0xb8;
	[tilespmem:$0x14100] =	vst v63  }
0x62: {  	v3 =	vld [tilespmem:$0x70];
	_ =	sdelay $0x4  }
0x63: {  	v4 =	vshll.u32 v3, $0x1  }
0x64: {  	v3 =	vand.u32 $0x7, v3;
	v4 =	vand.u32 $0xFFFFFFF0, v4  }
0x65: {  	v3 =	vor.u32 v3, v4  }
0x66: {  	v4 =	vperm.xlane v3, v0;
	_ =	sdelay $0x1  }
0x67: {  	v3 =	vperm.xlane v3, v2;
	v4 =	vadd.s32 v1, v4;
	_ =	sdelay $0x1  }
0x68: {  	v3 =	vadd.s32 v1, v3;
	_ =	sdelay $0x1  }
0x69: {  	s31 =	simm.s32 $0x7100  }
0x6a: {  	[tilespmem:s31], [sflag:$0x1] =	stream.indirect_vreg.gather [hbm4b:s1+s3], $0x80, v4, vm0, $0xb8;
	[tilespmem:$0x14100] =	vst v63  }
0x6b: {  	s31 =	simm.s32 $0x7900  }
0x6c: {  	[tilespmem:s31], [sflag:$0x1] =	stream.indirect_vreg.gather [hbm4b:s1+s3], $0x80, v3, vm0, $0xb8;
	[tilespmem:$0x14100] =	vst v63  }
0x6d: {  	v3 =	vld [tilespmem:$0x80];
	_ =	sdelay $0x4  }
0x6e: {  	v4 =	vshll.u32 v3, $0x1  }
0x6f: {  	v3 =	vand.u32 $0x7, v3;
	v4 =	vand.u32 $0xFFFFFFF0, v4  }
0x70: {  	v3 =	vor.u32 v3, v4  }
0x71: {  	v4 =	vperm.xlane v3, v0;
	_ =	sdelay $0x1  }
0x72: {  	v3 =	vperm.xlane v3, v2;
	v4 =	vadd.s32 v1, v4;
	_ =	sdelay $0x1  }
0x73: {  	v3 =	vadd.s32 v1, v3;
	_ =	sdelay $0x1  }
0x74: {  	s31 =	simm.s32 $0x8100  }
0x75: {  	[tilespmem:s31], [sflag:$0x1] =	stream.indirect_vreg.gather [hbm4b:s1+s3], $0x80, v4, vm0, $0xb8;
	[tilespmem:$0x14100] =	vst v63  }
0x76: {  	s31 =	simm.s32 $0x8900  }
0x77: {  	[tilespmem:s31], [sflag:$0x1] =	stream.indirect_vreg.gather [hbm4b:s1+s3], $0x80, v3, vm0, $0xb8;
	[tilespmem:$0x14100] =	vst v63  }
0x78: {  	v3 =	vld [tilespmem:$0x90];
	_ =	sdelay $0x4  }
0x79: {  	v4 =	vshll.u32 v3, $0x1  }
0x7a: {  	v3 =	vand.u32 $0x7, v3;
	v4 =	vand.u32 $0xFFFFFFF0, v4  }
0x7b: {  	v3 =	vor.u32 v3, v4  }
0x7c: {  	v4 =	vperm.xlane v3, v0;
	_ =	sdelay $0x1  }
0x7d: {  	v3 =	vperm.xlane v3, v2;
	v4 =	vadd.s32 v1, v4;
	_ =	sdelay $0x1  }
0x7e: {  	v3 =	vadd.s32 v1, v3;
	_ =	sdelay $0x1  }
0x7f: {  	s31 =	simm.s32 $0x9100  }
0x80: {  	[tilespmem:s31], [sflag:$0x1] =	stream.indirect_vreg.gather [hbm4b:s1+s3], $0x80, v4, vm0, $0xb8;
	[tilespmem:$0x14100] =	vst v63  }
0x81: {  	s31 =	simm.s32 $0x9900  }
0x82: {  	[tilespmem:s31], [sflag:$0x1] =	stream.indirect_vreg.gather [hbm4b:s1+s3], $0x80, v3, vm0, $0xb8;
	[tilespmem:$0x14100] =	vst v63  }
0x83: {  	v3 =	vld [tilespmem:$0xA0];
	_ =	sdelay $0x4  }
0x84: {  	v4 =	vshll.u32 v3, $0x1  }
0x85: {  	v3 =	vand.u32 $0x7, v3;
	v4 =	vand.u32 $0xFFFFFFF0, v4  }
0x86: {  	v3 =	vor.u32 v3, v4  }
0x87: {  	v4 =	vperm.xlane v3, v0;
	_ =	sdelay $0x1  }
0x88: {  	v3 =	vperm.xlane v3, v2;
	v4 =	vadd.s32 v1, v4;
	_ =	sdelay $0x1  }
0x89: {  	v3 =	vadd.s32 v1, v3;
	_ =	sdelay $0x2  }
0x8a: {  	[tilespmem:s2], [sflag:$0x1] =	stream.indirect_vreg.gather [hbm4b:s1+s3], $0x80, v4, vm0, $0xb8;
	[tilespmem:$0x14100] =	vst v63  }
0x8b: {  	_ = 	snop  }
0x8c: {  	[tilespmem:s13], [sflag:$0x1] =	stream.indirect_vreg.gather [hbm4b:s1+s3], $0x80, v3, vm0, $0xb8;
	[tilespmem:$0x14100] =	vst v63  }
0x8d: {  	v3 =	vld [tilespmem:$0xB0];
	_ =	sdelay $0x4  }
0x8e: {  	v4 =	vshll.u32 v3, $0x1  }
0x8f: {  	v3 =	vand.u32 $0x7, v3;
	v4 =	vand.u32 $0xFFFFFFF0, v4  }
0x90: {  	v3 =	vor.u32 v3, v4  }
0x91: {  	v4 =	vperm.xlane v3, v0;
	_ =	sdelay $0x1  }
0x92: {  	v3 =	vperm.xlane v3, v2;
	v4 =	vadd.s32 v1, v4;
	_ =	sdelay $0x1  }
0x93: {  	v3 =	vadd.s32 v1, v3;
	_ =	sdelay $0x2  }
0x94: {  	[tilespmem:s14], [sflag:$0x1] =	stream.indirect_vreg.gather [hbm4b:s1+s3], $0x80, v4, vm0, $0xb8;
	[tilespmem:$0x14100] =	vst v63  }
0x95: {  	_ = 	snop  }
0x96: {  	[tilespmem:s15], [sflag:$0x1] =	stream.indirect_vreg.gather [hbm4b:s1+s3], $0x80, v3, vm0, $0xb8;
	[tilespmem:$0x14100] =	vst v63  }
0x97: {  	v3 =	vld [tilespmem:$0xC0];
	_ =	sdelay $0x4  }
0x98: {  	v4 =	vshll.u32 v3, $0x1  }
0x99: {  	v3 =	vand.u32 $0x7, v3;
	v4 =	vand.u32 $0xFFFFFFF0, v4  }
0x9a: {  	v3 =	vor.u32 v3, v4  }
0x9b: {  	v4 =	vperm.xlane v3, v0;
	_ =	sdelay $0x1  }
0x9c: {  	v3 =	vperm.xlane v3, v2;
	v4 =	vadd.s32 v1, v4;
	_ =	sdelay $0x1  }
0x9d: {  	v3 =	vadd.s32 v1, v3;
	_ =	sdelay $0x2  }
0x9e: {  	[tilespmem:s16], [sflag:$0x1] =	stream.indirect_vreg.gather [hbm4b:s1+s3], $0x80, v4, vm0, $0xb8;
	[tilespmem:$0x14100] =	vst v63  }
0x9f: {  	_ = 	snop  }
0xa0: {  	[tilespmem:s17], [sflag:$0x1] =	stream.indirect_vreg.gather [hbm4b:s1+s3], $0x80, v3, vm0, $0xb8;
	[tilespmem:$0x14100] =	vst v63  }
0xa1: {  	v3 =	vld [tilespmem:$0xD0];
	_ =	sdelay $0x4  }
0xa2: {  	v4 =	vshll.u32 v3, $0x1  }
0xa3: {  	v3 =	vand.u32 $0x7, v3;
	v4 =	vand.u32 $0xFFFFFFF0, v4  }
0xa4: {  	v3 =	vor.u32 v3, v4  }
0xa5: {  	v4 =	vperm.xlane v3, v0;
	_ =	sdelay $0x1  }
0xa6: {  	v3 =	vperm.xlane v3, v2;
	v4 =	vadd.s32 v1, v4;
	_ =	sdelay $0x1  }
0xa7: {  	v3 =	vadd.s32 v1, v3;
	_ =	sdelay $0x2  }
0xa8: {  	[tilespmem:s18], [sflag:$0x1] =	stream.indirect_vreg.gather [hbm4b:s1+s3], $0x80, v4, vm0, $0xb8;
	[tilespmem:$0x14100] =	vst v63  }
0xa9: {  	_ = 	snop  }
0xaa: {  	[tilespmem:s19], [sflag:$0x1] =	stream.indirect_vreg.gather [hbm4b:s1+s3], $0x80, v3, vm0, $0xb8;
	[tilespmem:$0x14100] =	vst v63  }
0xab: {  	v3 =	vld [tilespmem:$0xE0];
	_ =	sdelay $0x4  }
0xac: {  	v4 =	vshll.u32 v3, $0x1  }
0xad: {  	v3 =	vand.u32 $0x7, v3;
	v4 =	vand.u32 $0xFFFFFFF0, v4  }
0xae: {  	v3 =	vor.u32 v3, v4  }
0xaf: {  	v4 =	vperm.xlane v3, v0;
	_ =	sdelay $0x1  }
0xb0: {  	v3 =	vperm.xlane v3, v2;
	v4 =	vadd.s32 v1, v4;
	_ =	sdelay $0x1  }
0xb1: {  	v3 =	vadd.s32 v1, v3;
	_ =	sdelay $0x2  }
0xb2: {  	[tilespmem:s20], [sflag:$0x1] =	stream.indirect_vreg.gather [hbm4b:s1+s3], $0x80, v4, vm0, $0xb8;
	[tilespmem:$0x14100] =	vst v63  }
0xb3: {  	_ = 	snop  }
0xb4: {  	[tilespmem:s21], [sflag:$0x1] =	stream.indirect_vreg.gather [hbm4b:s1+s3], $0x80, v3, vm0, $0xb8;
	[tilespmem:$0x14100] =	vst v63  }
0xb5: {  	v3 =	vld [tilespmem:$0xF0];
	_ =	sdelay $0x4  }
0xb6: {  	v4 =	vshll.u32 v3, $0x1  }
0xb7: {  	v3 =	vand.u32 $0x7, v3;
	v4 =	vand.u32 $0xFFFFFFF0, v4  }
0xb8: {  	v3 =	vor.u32 v3, v4  }
0xb9: {  	v4 =	vperm.xlane v3, v0;
	_ =	sdelay $0x1  }
0xba: {  	v3 =	vperm.xlane v3, v2;
	v4 =	vadd.s32 v1, v4;
	_ =	sdelay $0x1  }
0xbb: {  	v3 =	vadd.s32 v1, v3;
	_ =	sdelay $0x2  }
0xbc: {  	[tilespmem:s22], [sflag:$0x1] =	stream.indirect_vreg.gather [hbm4b:s1+s3], $0x80, v4, vm0, $0xb8;
	[tilespmem:$0x14100] =	vst v63  }
0xbd: {  	_ = 	snop  }
0xbe: {  	[tilespmem:s23], [sflag:$0x1] =	stream.indirect_vreg.gather [hbm4b:s1+s3], $0x80, v3, vm0, $0xb8;
	[tilespmem:$0x14100] =	vst v63  }
0xbf: {  	_ =	swait.ge [sflag:s24], $0x8000  }
0xc0: {  	[sflag:s24] =	ssyncset.done $0x0  }
0xc1: {  	[sflag:s24] =	ssyncadd.s32 $0xFFFF8000  }
0xc2: {  	_ =	swait.ge [sflag:s24], $0x8000  }
0xc3: {  	[sflag:s24] =	ssyncset.done $0x0  }
0xc4: {  	[sflag:s24] =	ssyncadd.s32 $0xFFFF8000  }
0xc5: {  	[tilespmem:s25], [sflag:$0x2] =	stream.linear.gather [hbm4b:s4+s3], $0x4000, $0x38;
	[tilespmem:$0x14100] =	vst v63  }
0xc6: {  	_ =	swait.ge [sflag:s11], $0x4000  }
0xc7: {  	s28 =	sand.u32 $0x3800, s3;
	s29 =	sand.u32 $0x380, s3;
	[sflag:s11] =	ssyncset.done $0x0  }
0xc8: {  	s28 =	sor.u32 s29, s28;
	[sflag:s11] =	ssyncadd.s32 $0xFFFFC000  }
0xc9: {  	v12 =	vld [tilespmem:s28+$0x10100]  }
0xca: {  	v13 =	vld [tilespmem:s28+$0x10110]  }
0xcb: {  	v14 =	vld [tilespmem:s28+$0x10120]  }
0xcc: {  	v16 =	vld [tilespmem:s28+$0x10130]  }
0xcd: {  	v17 =	vld [tilespmem:s28+$0x10140]  }
0xce: {  	v18 =	vld [tilespmem:s28+$0x10150]  }
0xcf: {  	v21 =	vld [tilespmem:s28+$0x10160]  }
0xd0: {  	v11 =	vld [tilespmem:s28+$0x10170]  }
0xd1: {  	v10 =	vld [tilespmem:s28+$0x10500]  }
0xd2: {  	v9 =	vld [tilespmem:s28+$0x10510]  }
0xd3: {  	v8 =	vld [tilespmem:s28+$0x10520]  }
0xd4: {  	v7 =	vld [tilespmem:s28+$0x10530]  }
0xd5: {  	v6 =	vld [tilespmem:s28+$0x10540]  }
0xd6: {  	v5 =	vld [tilespmem:s28+$0x10550]  }
0xd7: {  	v4 =	vld [tilespmem:s28+$0x10560]  }
0xd8: {  	v3 =	vld [tilespmem:s28+$0x10570]  }
0xd9: {  	v15 =	vld [tilespmem:s28+$0x100]  }
0xda: {  	v19 =	vld [tilespmem:s28+$0x110]  }
0xdb: {  	v20 =	vld [tilespmem:s28+$0x120]  }
0xdc: {  	v22 =	vld [tilespmem:s28+$0x130]  }
0xdd: {  	v23 =	vld [tilespmem:s28+$0x140]  }
0xde: {  	v24 =	vld [tilespmem:s28+$0x150];
	v15 =	vsub.f32 v15, v12  }
0xdf: {  	v25 =	vld [tilespmem:s28+$0x160];
	v19 =	vsub.f32 v19, v13  }
0xe0: {  	v12 =	vadd.f32 v15, v12;
	v15 =	vsub.f32 v20, v14;
	v20 =	vld [tilespmem:s28+$0x170]  }
0xe1: {  	v13 =	vadd.f32 v19, v13;
	v19 =	vsub.f32 v22, v16;
	v22 =	vld [tilespmem:s28+$0x500]  }
0xe2: {  	[tilespmem:s28+$0x100] =	vst v12;
	v12 =	vadd.f32 v15, v14;
	v14 =	vsub.f32 v23, v17;
	v15 =	vld [tilespmem:s28+$0x510]  }
0xe3: {  	[tilespmem:s28+$0x110] =	vst v13;
	v16 =	vadd.f32 v19, v16;
	v19 =	vsub.f32 v24, v18;
	v13 =	vld [tilespmem:s28+$0x520]  }
0xe4: {  	v23 =	vsub.f32 v25, v21;
	[tilespmem:s28+$0x120] =	vst v12;
	v17 =	vadd.f32 v14, v17;
	v12 =	vld [tilespmem:s28+$0x530]  }
0xe5: {  	[tilespmem:s28+$0x130] =	vst v16;
	v19 =	vadd.f32 v19, v18;
	v14 =	vld [tilespmem:s28+$0x540];
	v20 =	vsub.f32 v20, v11  }
0xe6: {  	s30 =	simm.s32 $0x100;
	s29 =	simm.s32 $0x80;
	v16 =	vld [tilespmem:s28+$0x550];
	v18 =	vsub.f32 v22, v10;
	[tilespmem:s28+$0x140] =	vst v17;
	v17 =	vadd.f32 v23, v21  }
.LBB2_2:
0xe7: {  	s31 =	sand.u32 $0x3800, s30;
	s0 =	sand.u32 $0x380, s29;
	p0 =	sne.s32 s30, $0x3F00;
	[tilespmem:s28+$0x150] =	vst v19;
	v11 =	vadd.f32 v20, v11;
	v15 =	vsub.f32 v15, v9;
	v19 =	vld [tilespmem:s28+$0x560]  }
0xe8: {  	s0 =	sor.u32 s0, s31;
	[tilespmem:s28+$0x160] =	vst v17;
	v10 =	vadd.f32 v18, v10;
	v13 =	vsub.f32 v13, v8;
	v17 =	vld [tilespmem:s28+$0x570]  }
0xe9: {  	v18 =	vld [tilespmem:s0+$0x10100];
	[tilespmem:s28+$0x170] =	vst v11;
	v9 =	vadd.f32 v15, v9;
	v11 =	vsub.f32 v12, v7  }
0xea: {  	v12 =	vld [tilespmem:s0+$0x10110];
	[tilespmem:s28+$0x500] =	vst v10;
	v8 =	vadd.f32 v13, v8;
	v10 =	vsub.f32 v14, v6  }
0xeb: {  	v13 =	vld [tilespmem:s0+$0x10120];
	[tilespmem:s28+$0x510] =	vst v9;
	v7 =	vadd.f32 v11, v7;
	v9 =	vsub.f32 v16, v5  }
0xec: {  	v14 =	vld [tilespmem:s0+$0x10130];
	[tilespmem:s28+$0x520] =	vst v8;
	v6 =	vadd.f32 v10, v6;
	v8 =	vsub.f32 v19, v4  }
0xed: {  	v16 =	vld [tilespmem:s0+$0x10140];
	[tilespmem:s28+$0x530] =	vst v7;
	v5 =	vadd.f32 v9, v5;
	v7 =	vsub.f32 v17, v3  }
0xee: {  	v17 =	vld [tilespmem:s0+$0x10150];
	[tilespmem:s28+$0x540] =	vst v6;
	v4 =	vadd.f32 v8, v4  }
0xef: {  	v21 =	vld [tilespmem:s0+$0x10160];
	[tilespmem:s28+$0x550] =	vst v5;
	v3 =	vadd.f32 v7, v3  }
0xf0: {  	v11 =	vld [tilespmem:s0+$0x10170];
	[tilespmem:s28+$0x560] =	vst v4  }
0xf1: {  	v10 =	vld [tilespmem:s0+$0x10500];
	[tilespmem:s28+$0x570] =	vst v3;
	s28 =	smov.u32 s0  }
0xf2: {  	v9 =	vld [tilespmem:s28+$0x10510]  }
0xf3: {  	v8 =	vld [tilespmem:s28+$0x10520]  }
0xf4: {  	v7 =	vld [tilespmem:s28+$0x10530]  }
0xf5: {  	v6 =	vld [tilespmem:s28+$0x10540]  }
0xf6: {  	v5 =	vld [tilespmem:s28+$0x10550]  }
0xf7: {  	v4 =	vld [tilespmem:s28+$0x10560]  }
0xf8: {  	v3 =	vld [tilespmem:s28+$0x10570]  }
0xf9: {  	v15 =	vld [tilespmem:s28+$0x100]  }
0xfa: {  	v19 =	vld [tilespmem:s28+$0x110]  }
0xfb: {  	v20 =	vld [tilespmem:s28+$0x120]  }
0xfc: {  	v22 =	vld [tilespmem:s28+$0x130]  }
0xfd: {  	v23 =	vld [tilespmem:s28+$0x140]  }
0xfe: {  	v15 =	vsub.f32 v15, v18;
	v24 =	vld [tilespmem:s28+$0x150]  }
0xff: {  	v19 =	vsub.f32 v19, v12;
	v25 =	vld [tilespmem:s28+$0x160]  }
0x100: {  	v15 =	vadd.f32 v15, v18;
	v18 =	vsub.f32 v20, v13;
	v20 =	vld [tilespmem:s28+$0x170]  }
0x101: {  	v12 =	vadd.f32 v19, v12;
	v19 =	vsub.f32 v22, v14;
	v22 =	vld [tilespmem:s28+$0x500]  }
.Ltmp0:
0x102: {  	[tilespmem:s28+$0x100] =	vst v15;
	v18 =	vadd.f32 v18, v13;
	v23 =	vsub.f32 v23, v16;
	v15 =	vld [tilespmem:s28+$0x510];
	(pc) =	sbr.rel @p0 .LBB2_2-.Ltmp0, $4  }
0x103: {  	[tilespmem:s28+$0x110] =	vst v12;
	v14 =	vadd.f32 v19, v14;
	v19 =	vsub.f32 v24, v17;
	v13 =	vld [tilespmem:s28+$0x520]  }
0x104: {  	[tilespmem:s28+$0x120] =	vst v18;
	v16 =	vadd.f32 v23, v16;
	v18 =	vsub.f32 v25, v21;
	v12 =	vld [tilespmem:s28+$0x530]  }
0x105: {  	[tilespmem:s28+$0x130] =	vst v14;
	v19 =	vadd.f32 v19, v17;
	v20 =	vsub.f32 v20, v11;
	v14 =	vld [tilespmem:s28+$0x540]  }
0x106: {  	s29 =	sadd.s32 $0x80, s29;
	s30 =	sadd.s32 $0x100, s30;
	[tilespmem:s28+$0x140] =	vst v16;
	v17 =	vadd.f32 v18, v21;
	v18 =	vsub.f32 v22, v10;
	v16 =	vld [tilespmem:s28+$0x550]  }
0x107: {  	[tilespmem:s28+$0x150] =	vst v19;
	v11 =	vadd.f32 v20, v11;
	v15 =	vsub.f32 v15, v9;
	v19 =	vld [tilespmem:s28+$0x560]  }
0x108: {  	[tilespmem:s28+$0x160] =	vst v17;
	v10 =	vadd.f32 v18, v10;
	v13 =	vsub.f32 v13, v8;
	v17 =	vld [tilespmem:s28+$0x570]  }
0x109: {  	[tilespmem:s28+$0x170] =	vst v11;
	v9 =	vadd.f32 v15, v9;
	v11 =	vsub.f32 v12, v7  }
0x10a: {  	[tilespmem:s28+$0x500] =	vst v10;
	v8 =	vadd.f32 v13, v8;
	v10 =	vsub.f32 v14, v6  }
0x10b: {  	[tilespmem:s28+$0x510] =	vst v9;
	v7 =	vadd.f32 v11, v7;
	v9 =	vsub.f32 v16, v5  }
0x10c: {  	[tilespmem:s28+$0x520] =	vst v8;
	v6 =	vadd.f32 v10, v6;
	v8 =	vsub.f32 v19, v4  }
0x10d: {  	[tilespmem:s28+$0x530] =	vst v7;
	v5 =	vadd.f32 v9, v5;
	v7 =	vsub.f32 v17, v3  }
0x10e: {  	[tilespmem:s28+$0x540] =	vst v6;
	v4 =	vadd.f32 v8, v4  }
0x10f: {  	[tilespmem:s28+$0x550] =	vst v5;
	v3 =	vadd.f32 v7, v3  }
0x110: {  	[tilespmem:s28+$0x560] =	vst v4  }
0x111: {  	s0 =	simm.s32 $0x0;
	[tilespmem:s28+$0x570] =	vst v3  }
0x112: {  	[tilespmem:s25], [sflag:$0x2] =	stream.linear.gather [hbm4b:s6+s0], $0x4000, $0x38;
	[tilespmem:$0x14100] =	vst v63  }
0x113: {  	_ =	swait.ge [sflag:s11], $0x4000  }
0x114: {  	s28 =	sand.u32 $0x3800, s0;
	s0 =	sand.u32 $0x380, s0;
	[sflag:s11] =	ssyncset.done $0x0  }
0x115: {  	s28 =	sor.u32 s0, s28;
	[sflag:s11] =	ssyncadd.s32 $0xFFFFC000  }
0x116: {  	v12 =	vld [tilespmem:s28+$0x10100]  }
0x117: {  	v13 =	vld [tilespmem:s28+$0x10110]  }
0x118: {  	v14 =	vld [tilespmem:s28+$0x10120]  }
0x119: {  	v15 =	vld [tilespmem:s28+$0x10130]  }
0x11a: {  	v16 =	vld [tilespmem:s28+$0x10140]  }
0x11b: {  	v17 =	vld [tilespmem:s28+$0x10150]  }
0x11c: {  	v18 =	vld [tilespmem:s28+$0x10160]  }
0x11d: {  	v11 =	vld [tilespmem:s28+$0x10170]  }
0x11e: {  	v10 =	vld [tilespmem:s28+$0x10500]  }
0x11f: {  	v9 =	vld [tilespmem:s28+$0x10510]  }
0x120: {  	v8 =	vld [tilespmem:s28+$0x10520]  }
0x121: {  	v7 =	vld [tilespmem:s28+$0x10530]  }
0x122: {  	v6 =	vld [tilespmem:s28+$0x10540]  }
0x123: {  	v5 =	vld [tilespmem:s28+$0x10550]  }
0x124: {  	v4 =	vld [tilespmem:s28+$0x10560]  }
0x125: {  	v19 =	vld [tilespmem:s28+$0x4100]  }
0x126: {  	v20 =	vld [tilespmem:s28+$0x4110]  }
0x127: {  	v21 =	vld [tilespmem:s28+$0x4120]  }
0x128: {  	v3 =	vld [tilespmem:s28+$0x10570]  }
0x129: {  	v22 =	vld [tilespmem:s28+$0x4130]  }
0x12a: {  	v23 =	vld [tilespmem:s28+$0x4140];
	v19 =	vsub.f32 v19, v12  }
0x12b: {  	v24 =	vld [tilespmem:s28+$0x4150];
	v20 =	vsub.f32 v20, v13  }
0x12c: {  	v25 =	vld [tilespmem:s28+$0x4160];
	v21 =	vsub.f32 v21, v14;
	v12 =	vadd.f32 v19, v12  }
0x12d: {  	v19 =	vld [tilespmem:s28+$0x4170];
	v20 =	vadd.f32 v20, v13  }
0x12e: {  	v26 =	vld [tilespmem:s28+$0x4500];
	v21 =	vadd.f32 v21, v14;
	[tilespmem:s28+$0x4100] =	vst v12;
	v12 =	vsub.f32 v22, v15  }
0x12f: {  	v13 =	vld [tilespmem:s28+$0x4510];
	[tilespmem:s28+$0x4110] =	vst v20;
	v20 =	vsub.f32 v23, v16  }
0x130: {  	v14 =	vld [tilespmem:s28+$0x4520];
	[tilespmem:s28+$0x4120] =	vst v21;
	v21 =	vsub.f32 v24, v17;
	v15 =	vadd.f32 v12, v15  }
0x131: {  	v22 =	vsub.f32 v25, v18;
	v12 =	vld [tilespmem:s28+$0x4530];
	v16 =	vadd.f32 v20, v16  }
0x132: {  	v20 =	vadd.f32 v21, v17;
	v19 =	vsub.f32 v19, v11;
	[tilespmem:s28+$0x4130] =	vst v15;
	v15 =	vld [tilespmem:s28+$0x4540]  }
0x133: {  	s29 =	simm.s32 $0x80;
	s30 =	simm.s32 $0x100;
	v17 =	vadd.f32 v22, v18;
	v18 =	vsub.f32 v26, v10;
	[tilespmem:s28+$0x4140] =	vst v16;
	v16 =	vld [tilespmem:s28+$0x4550]  }
.LBB2_4:
0x134: {  	s0 =	sand.u32 $0x3800, s30;
	s31 =	sand.u32 $0x380, s29;
	p0 =	sne.s32 s30, $0x3F00;
	[tilespmem:s28+$0x4150] =	vst v20;
	v11 =	vadd.f32 v19, v11;
	v13 =	vsub.f32 v13, v9;
	v19 =	vld [tilespmem:s28+$0x4560]  }
0x135: {  	s0 =	sor.u32 s31, s0;
	[tilespmem:s28+$0x4160] =	vst v17;
	v10 =	vadd.f32 v18, v10;
	v14 =	vsub.f32 v14, v8;
	v17 =	vld [tilespmem:s28+$0x4570]  }
0x136: {  	v18 =	vld [tilespmem:s0+$0x10100];
	[tilespmem:s28+$0x4170] =	vst v11;
	v9 =	vadd.f32 v13, v9;
	v11 =	vsub.f32 v12, v7  }
0x137: {  	v12 =	vld [tilespmem:s0+$0x10110];
	[tilespmem:s28+$0x4500] =	vst v10;
	v8 =	vadd.f32 v14, v8;
	v10 =	vsub.f32 v15, v6  }
0x138: {  	v13 =	vld [tilespmem:s0+$0x10120];
	[tilespmem:s28+$0x4510] =	vst v9;
	v7 =	vadd.f32 v11, v7;
	v9 =	vsub.f32 v16, v5  }
0x139: {  	v14 =	vld [tilespmem:s0+$0x10130];
	[tilespmem:s28+$0x4520] =	vst v8;
	v6 =	vadd.f32 v10, v6;
	v8 =	vsub.f32 v19, v4  }
0x13a: {  	v15 =	vld [tilespmem:s0+$0x10140];
	[tilespmem:s28+$0x4530] =	vst v7;
	v5 =	vadd.f32 v9, v5;
	v7 =	vsub.f32 v17, v3  }
0x13b: {  	v16 =	vld [tilespmem:s0+$0x10150];
	[tilespmem:s28+$0x4540] =	vst v6;
	v4 =	vadd.f32 v8, v4  }
0x13c: {  	v17 =	vld [tilespmem:s0+$0x10160];
	[tilespmem:s28+$0x4550] =	vst v5;
	v3 =	vadd.f32 v7, v3  }
0x13d: {  	v11 =	vld [tilespmem:s0+$0x10170];
	[tilespmem:s28+$0x4560] =	vst v4  }
0x13e: {  	v10 =	vld [tilespmem:s0+$0x10500];
	[tilespmem:s28+$0x4570] =	vst v3;
	s28 =	smov.u32 s0  }
0x13f: {  	v9 =	vld [tilespmem:s28+$0x10510]  }
0x140: {  	v8 =	vld [tilespmem:s28+$0x10520]  }
0x141: {  	v7 =	vld [tilespmem:s28+$0x10530]  }
0x142: {  	v6 =	vld [tilespmem:s28+$0x10540]  }
0x143: {  	v5 =	vld [tilespmem:s28+$0x10550]  }
0x144: {  	v4 =	vld [tilespmem:s28+$0x10560]  }
0x145: {  	v3 =	vld [tilespmem:s28+$0x10570]  }
0x146: {  	v19 =	vld [tilespmem:s28+$0x4100]  }
0x147: {  	v20 =	vld [tilespmem:s28+$0x4110]  }
0x148: {  	v21 =	vld [tilespmem:s28+$0x4120]  }
0x149: {  	v22 =	vld [tilespmem:s28+$0x4130]  }
0x14a: {  	v23 =	vld [tilespmem:s28+$0x4140]  }
0x14b: {  	v19 =	vsub.f32 v19, v18;
	v24 =	vld [tilespmem:s28+$0x4150]  }
0x14c: {  	v20 =	vsub.f32 v20, v12;
	v25 =	vld [tilespmem:s28+$0x4160]  }
0x14d: {  	v18 =	vadd.f32 v19, v18;
	v19 =	vsub.f32 v21, v13;
	v21 =	vld [tilespmem:s28+$0x4170]  }
0x14e: {  	v12 =	vadd.f32 v20, v12;
	v20 =	vsub.f32 v22, v14;
	v22 =	vld [tilespmem:s28+$0x4500]  }
.Ltmp1:
0x14f: {  	[tilespmem:s28+$0x4100] =	vst v18;
	v18 =	vadd.f32 v19, v13;
	v19 =	vsub.f32 v23, v15;
	v13 =	vld [tilespmem:s28+$0x4510];
	(pc) =	sbr.rel @p0 .LBB2_4-.Ltmp1, $4  }
0x150: {  	[tilespmem:s28+$0x4110] =	vst v12;
	v20 =	vadd.f32 v20, v14;
	v23 =	vsub.f32 v24, v16;
	v14 =	vld [tilespmem:s28+$0x4520]  }
0x151: {  	[tilespmem:s28+$0x4120] =	vst v18;
	v18 =	vadd.f32 v19, v15;
	v24 =	vsub.f32 v25, v17;
	v12 =	vld [tilespmem:s28+$0x4530]  }
0x152: {  	[tilespmem:s28+$0x4130] =	vst v20;
	v20 =	vadd.f32 v23, v16;
	v19 =	vsub.f32 v21, v11;
	v15 =	vld [tilespmem:s28+$0x4540]  }
0x153: {  	s29 =	sadd.s32 $0x80, s29;
	s30 =	sadd.s32 $0x100, s30;
	[tilespmem:s28+$0x4140] =	vst v18;
	v17 =	vadd.f32 v24, v17;
	v18 =	vsub.f32 v22, v10;
	v16 =	vld [tilespmem:s28+$0x4550]  }
0x154: {  	[tilespmem:s28+$0x4150] =	vst v20;
	v20 =	vld [tilespmem:s28+$0x4560];
	v11 =	vadd.f32 v19, v11;
	v13 =	vsub.f32 v13, v9  }
0x155: {  	[tilespmem:s28+$0x4160] =	vst v17;
	v10 =	vadd.f32 v18, v10;
	v14 =	vsub.f32 v14, v8;
	v17 =	vld [tilespmem:s28+$0x4570]  }
0x156: {  	[tilespmem:s28+$0x4170] =	vst v11;
	v9 =	vadd.f32 v13, v9;
	v11 =	vsub.f32 v12, v7  }
0x157: {  	[tilespmem:s28+$0x4500] =	vst v10;
	v8 =	vadd.f32 v14, v8;
	v10 =	vsub.f32 v15, v6  }
0x158: {  	[tilespmem:s28+$0x4510] =	vst v9;
	v7 =	vadd.f32 v11, v7;
	v9 =	vsub.f32 v16, v5  }
0x159: {  	[tilespmem:s28+$0x4520] =	vst v8;
	v6 =	vadd.f32 v10, v6;
	v8 =	vsub.f32 v20, v4  }
0x15a: {  	[tilespmem:s28+$0x4530] =	vst v7;
	v5 =	vadd.f32 v9, v5;
	v7 =	vsub.f32 v17, v3  }
0x15b: {  	[tilespmem:s28+$0x4540] =	vst v6;
	v4 =	vadd.f32 v8, v4  }
0x15c: {  	[tilespmem:s28+$0x4550] =	vst v5;
	v3 =	vadd.f32 v7, v3  }
0x15d: {  	[tilespmem:s28+$0x4560] =	vst v4  }
0x15e: {  	s0 =	simm.s32 $0x0;
	[tilespmem:s28+$0x4570] =	vst v3  }
0x15f: {  	[tilespmem:s25], [sflag:$0x2] =	stream.linear.gather [hbm4b:s7+s0], $0x4000, $0x38;
	[tilespmem:$0x14100] =	vst v63  }
0x160: {  	_ =	swait.ge [sflag:s11], $0x4000  }
0x161: {  	s28 =	sand.u32 $0x3800, s0;
	s0 =	sand.u32 $0x380, s0;
	[sflag:s11] =	ssyncset.done $0x0  }
0x162: {  	s28 =	sor.u32 s0, s28;
	[sflag:s11] =	ssyncadd.s32 $0xFFFFC000  }
0x163: {  	v12 =	vld [tilespmem:s28+$0x10100]  }
0x164: {  	v13 =	vld [tilespmem:s28+$0x10110]  }
0x165: {  	v14 =	vld [tilespmem:s28+$0x10120]  }
0x166: {  	v15 =	vld [tilespmem:s28+$0x10130]  }
0x167: {  	v16 =	vld [tilespmem:s28+$0x10140]  }
0x168: {  	v17 =	vld [tilespmem:s28+$0x10150]  }
0x169: {  	v18 =	vld [tilespmem:s28+$0x10160]  }
0x16a: {  	v11 =	vld [tilespmem:s28+$0x10170]  }
0x16b: {  	v10 =	vld [tilespmem:s28+$0x10500]  }
0x16c: {  	v9 =	vld [tilespmem:s28+$0x10510]  }
0x16d: {  	v8 =	vld [tilespmem:s28+$0x10520]  }
0x16e: {  	v7 =	vld [tilespmem:s28+$0x10530]  }
0x16f: {  	v6 =	vld [tilespmem:s28+$0x10540]  }
0x170: {  	v5 =	vld [tilespmem:s28+$0x10550]  }
0x171: {  	v4 =	vld [tilespmem:s28+$0x10560]  }
0x172: {  	v19 =	vld [tilespmem:s28+$0x8100]  }
0x173: {  	v20 =	vld [tilespmem:s28+$0x8110]  }
0x174: {  	v21 =	vld [tilespmem:s28+$0x8120]  }
0x175: {  	v3 =	vld [tilespmem:s28+$0x10570]  }
0x176: {  	v22 =	vld [tilespmem:s28+$0x8130]  }
0x177: {  	v23 =	vld [tilespmem:s28+$0x8140];
	v19 =	vsub.f32 v19, v12  }
0x178: {  	v24 =	vld [tilespmem:s28+$0x8150];
	v20 =	vsub.f32 v20, v13  }
0x179: {  	v25 =	vld [tilespmem:s28+$0x8160];
	v21 =	vsub.f32 v21, v14;
	v12 =	vadd.f32 v19, v12  }
0x17a: {  	v19 =	vld [tilespmem:s28+$0x8170];
	v20 =	vadd.f32 v20, v13  }
0x17b: {  	v26 =	vld [tilespmem:s28+$0x8500];
	v21 =	vadd.f32 v21, v14;
	[tilespmem:s28+$0x8100] =	vst v12;
	v12 =	vsub.f32 v22, v15  }
0x17c: {  	v13 =	vld [tilespmem:s28+$0x8510];
	[tilespmem:s28+$0x8110] =	vst v20;
	v20 =	vsub.f32 v23, v16  }
0x17d: {  	v14 =	vld [tilespmem:s28+$0x8520];
	[tilespmem:s28+$0x8120] =	vst v21;
	v21 =	vsub.f32 v24, v17;
	v15 =	vadd.f32 v12, v15  }
0x17e: {  	v22 =	vsub.f32 v25, v18;
	v12 =	vld [tilespmem:s28+$0x8530];
	v16 =	vadd.f32 v20, v16  }
0x17f: {  	v20 =	vadd.f32 v21, v17;
	v19 =	vsub.f32 v19, v11;
	[tilespmem:s28+$0x8130] =	vst v15;
	v15 =	vld [tilespmem:s28+$0x8540]  }
0x180: {  	s29 =	simm.s32 $0x80;
	s30 =	simm.s32 $0x100;
	v17 =	vadd.f32 v22, v18;
	v18 =	vsub.f32 v26, v10;
	[tilespmem:s28+$0x8140] =	vst v16;
	v16 =	vld [tilespmem:s28+$0x8550]  }
.LBB2_6:
0x181: {  	s0 =	sand.u32 $0x3800, s30;
	s31 =	sand.u32 $0x380, s29;
	p0 =	sne.s32 s30, $0x3F00;
	[tilespmem:s28+$0x8150] =	vst v20;
	v11 =	vadd.f32 v19, v11;
	v13 =	vsub.f32 v13, v9;
	v19 =	vld [tilespmem:s28+$0x8560]  }
0x182: {  	s0 =	sor.u32 s31, s0;
	[tilespmem:s28+$0x8160] =	vst v17;
	v10 =	vadd.f32 v18, v10;
	v14 =	vsub.f32 v14, v8;
	v17 =	vld [tilespmem:s28+$0x8570]  }
0x183: {  	v18 =	vld [tilespmem:s0+$0x10100];
	[tilespmem:s28+$0x8170] =	vst v11;
	v9 =	vadd.f32 v13, v9;
	v11 =	vsub.f32 v12, v7  }
0x184: {  	v12 =	vld [tilespmem:s0+$0x10110];
	[tilespmem:s28+$0x8500] =	vst v10;
	v8 =	vadd.f32 v14, v8;
	v10 =	vsub.f32 v15, v6  }
0x185: {  	v13 =	vld [tilespmem:s0+$0x10120];
	[tilespmem:s28+$0x8510] =	vst v9;
	v7 =	vadd.f32 v11, v7;
	v9 =	vsub.f32 v16, v5  }
0x186: {  	v14 =	vld [tilespmem:s0+$0x10130];
	[tilespmem:s28+$0x8520] =	vst v8;
	v6 =	vadd.f32 v10, v6;
	v8 =	vsub.f32 v19, v4  }
0x187: {  	v15 =	vld [tilespmem:s0+$0x10140];
	[tilespmem:s28+$0x8530] =	vst v7;
	v5 =	vadd.f32 v9, v5;
	v7 =	vsub.f32 v17, v3  }
0x188: {  	v16 =	vld [tilespmem:s0+$0x10150];
	[tilespmem:s28+$0x8540] =	vst v6;
	v4 =	vadd.f32 v8, v4  }
0x189: {  	v17 =	vld [tilespmem:s0+$0x10160];
	[tilespmem:s28+$0x8550] =	vst v5;
	v3 =	vadd.f32 v7, v3  }
0x18a: {  	v11 =	vld [tilespmem:s0+$0x10170];
	[tilespmem:s28+$0x8560] =	vst v4  }
0x18b: {  	v10 =	vld [tilespmem:s0+$0x10500];
	[tilespmem:s28+$0x8570] =	vst v3;
	s28 =	smov.u32 s0  }
0x18c: {  	v9 =	vld [tilespmem:s28+$0x10510]  }
0x18d: {  	v8 =	vld [tilespmem:s28+$0x10520]  }
0x18e: {  	v7 =	vld [tilespmem:s28+$0x10530]  }
0x18f: {  	v6 =	vld [tilespmem:s28+$0x10540]  }
0x190: {  	v5 =	vld [tilespmem:s28+$0x10550]  }
0x191: {  	v4 =	vld [tilespmem:s28+$0x10560]  }
0x192: {  	v3 =	vld [tilespmem:s28+$0x10570]  }
0x193: {  	v19 =	vld [tilespmem:s28+$0x8100]  }
0x194: {  	v20 =	vld [tilespmem:s28+$0x8110]  }
0x195: {  	v21 =	vld [tilespmem:s28+$0x8120]  }
0x196: {  	v22 =	vld [tilespmem:s28+$0x8130]  }
0x197: {  	v23 =	vld [tilespmem:s28+$0x8140]  }
0x198: {  	v19 =	vsub.f32 v19, v18;
	v24 =	vld [tilespmem:s28+$0x8150]  }
0x199: {  	v20 =	vsub.f32 v20, v12;
	v25 =	vld [tilespmem:s28+$0x8160]  }
0x19a: {  	v18 =	vadd.f32 v19, v18;
	v19 =	vsub.f32 v21, v13;
	v21 =	vld [tilespmem:s28+$0x8170]  }
0x19b: {  	v12 =	vadd.f32 v20, v12;
	v20 =	vsub.f32 v22, v14;
	v22 =	vld [tilespmem:s28+$0x8500]  }
.Ltmp2:
0x19c: {  	[tilespmem:s28+$0x8100] =	vst v18;
	v18 =	vadd.f32 v19, v13;
	v19 =	vsub.f32 v23, v15;
	v13 =	vld [tilespmem:s28+$0x8510];
	(pc) =	sbr.rel @p0 .LBB2_6-.Ltmp2, $4  }
0x19d: {  	[tilespmem:s28+$0x8110] =	vst v12;
	v20 =	vadd.f32 v20, v14;
	v23 =	vsub.f32 v24, v16;
	v14 =	vld [tilespmem:s28+$0x8520]  }
0x19e: {  	[tilespmem:s28+$0x8120] =	vst v18;
	v18 =	vadd.f32 v19, v15;
	v24 =	vsub.f32 v25, v17;
	v12 =	vld [tilespmem:s28+$0x8530]  }
0x19f: {  	[tilespmem:s28+$0x8130] =	vst v20;
	v20 =	vadd.f32 v23, v16;
	v19 =	vsub.f32 v21, v11;
	v15 =	vld [tilespmem:s28+$0x8540]  }
0x1a0: {  	s29 =	sadd.s32 $0x80, s29;
	s30 =	sadd.s32 $0x100, s30;
	[tilespmem:s28+$0x8140] =	vst v18;
	v17 =	vadd.f32 v24, v17;
	v18 =	vsub.f32 v22, v10;
	v16 =	vld [tilespmem:s28+$0x8550]  }
0x1a1: {  	[tilespmem:s28+$0x8150] =	vst v20;
	v20 =	vld [tilespmem:s28+$0x8560];
	v11 =	vadd.f32 v19, v11;
	v13 =	vsub.f32 v13, v9  }
0x1a2: {  	[tilespmem:s28+$0x8160] =	vst v17;
	v10 =	vadd.f32 v18, v10;
	v14 =	vsub.f32 v14, v8;
	v17 =	vld [tilespmem:s28+$0x8570]  }
0x1a3: {  	[tilespmem:s28+$0x8170] =	vst v11;
	v9 =	vadd.f32 v13, v9;
	v11 =	vsub.f32 v12, v7  }
0x1a4: {  	[tilespmem:s28+$0x8500] =	vst v10;
	v8 =	vadd.f32 v14, v8;
	v10 =	vsub.f32 v15, v6  }
0x1a5: {  	[tilespmem:s28+$0x8510] =	vst v9;
	v7 =	vadd.f32 v11, v7;
	v9 =	vsub.f32 v16, v5  }
0x1a6: {  	[tilespmem:s28+$0x8520] =	vst v8;
	v6 =	vadd.f32 v10, v6;
	v8 =	vsub.f32 v20, v4  }
0x1a7: {  	[tilespmem:s28+$0x8530] =	vst v7;
	v5 =	vadd.f32 v9, v5;
	v7 =	vsub.f32 v17, v3  }
0x1a8: {  	[tilespmem:s28+$0x8540] =	vst v6;
	v4 =	vadd.f32 v8, v4  }
0x1a9: {  	[tilespmem:s28+$0x8550] =	vst v5;
	v3 =	vadd.f32 v7, v3  }
0x1aa: {  	[tilespmem:s28+$0x8560] =	vst v4  }
0x1ab: {  	s0 =	simm.s32 $0x0;
	[tilespmem:s28+$0x8570] =	vst v3  }
0x1ac: {  	[tilespmem:s25], [sflag:$0x2] =	stream.linear.gather [hbm4b:s8+s0], $0x4000, $0x38;
	[tilespmem:$0x14100] =	vst v63  }
0x1ad: {  	_ =	swait.ge [sflag:s11], $0x4000  }
0x1ae: {  	s28 =	sand.u32 $0x3800, s0;
	s0 =	sand.u32 $0x380, s0;
	[sflag:s11] =	ssyncset.done $0x0  }
0x1af: {  	s28 =	sor.u32 s0, s28;
	[sflag:s11] =	ssyncadd.s32 $0xFFFFC000  }
0x1b0: {  	v12 =	vld [tilespmem:s28+$0x10100]  }
0x1b1: {  	v13 =	vld [tilespmem:s28+$0x10110]  }
0x1b2: {  	v14 =	vld [tilespmem:s28+$0x10120]  }
0x1b3: {  	v15 =	vld [tilespmem:s28+$0x10130]  }
0x1b4: {  	v16 =	vld [tilespmem:s28+$0x10140]  }
0x1b5: {  	v17 =	vld [tilespmem:s28+$0x10150]  }
0x1b6: {  	v18 =	vld [tilespmem:s28+$0x10160]  }
0x1b7: {  	v11 =	vld [tilespmem:s28+$0x10170]  }
0x1b8: {  	v10 =	vld [tilespmem:s28+$0x10500]  }
0x1b9: {  	v9 =	vld [tilespmem:s28+$0x10510]  }
0x1ba: {  	v8 =	vld [tilespmem:s28+$0x10520]  }
0x1bb: {  	v7 =	vld [tilespmem:s28+$0x10530]  }
0x1bc: {  	v6 =	vld [tilespmem:s28+$0x10540]  }
0x1bd: {  	v5 =	vld [tilespmem:s28+$0x10550]  }
0x1be: {  	v4 =	vld [tilespmem:s28+$0x10560]  }
0x1bf: {  	v19 =	vld [tilespmem:s28+$0xC100]  }
0x1c0: {  	v20 =	vld [tilespmem:s28+$0xC110]  }
0x1c1: {  	v21 =	vld [tilespmem:s28+$0xC120]  }
0x1c2: {  	v3 =	vld [tilespmem:s28+$0x10570]  }
0x1c3: {  	v22 =	vld [tilespmem:s28+$0xC130]  }
0x1c4: {  	v23 =	vld [tilespmem:s28+$0xC140];
	v19 =	vsub.f32 v19, v12  }
0x1c5: {  	v24 =	vld [tilespmem:s28+$0xC150];
	v20 =	vsub.f32 v20, v13  }
0x1c6: {  	v25 =	vld [tilespmem:s28+$0xC160];
	v21 =	vsub.f32 v21, v14;
	v12 =	vadd.f32 v19, v12  }
0x1c7: {  	v19 =	vld [tilespmem:s28+$0xC170];
	v20 =	vadd.f32 v20, v13  }
0x1c8: {  	v26 =	vld [tilespmem:s28+$0xC500];
	v21 =	vadd.f32 v21, v14;
	[tilespmem:s28+$0xC100] =	vst v12;
	v12 =	vsub.f32 v22, v15  }
0x1c9: {  	v13 =	vld [tilespmem:s28+$0xC510];
	[tilespmem:s28+$0xC110] =	vst v20;
	v20 =	vsub.f32 v23, v16  }
0x1ca: {  	v14 =	vld [tilespmem:s28+$0xC520];
	[tilespmem:s28+$0xC120] =	vst v21;
	v21 =	vsub.f32 v24, v17;
	v15 =	vadd.f32 v12, v15  }
0x1cb: {  	v22 =	vsub.f32 v25, v18;
	v12 =	vld [tilespmem:s28+$0xC530];
	v16 =	vadd.f32 v20, v16  }
0x1cc: {  	v20 =	vadd.f32 v21, v17;
	v19 =	vsub.f32 v19, v11;
	[tilespmem:s28+$0xC130] =	vst v15;
	v15 =	vld [tilespmem:s28+$0xC540]  }
0x1cd: {  	s29 =	simm.s32 $0x80;
	s30 =	simm.s32 $0x100;
	v17 =	vadd.f32 v22, v18;
	v18 =	vsub.f32 v26, v10;
	[tilespmem:s28+$0xC140] =	vst v16;
	v16 =	vld [tilespmem:s28+$0xC550]  }
.LBB2_8:
0x1ce: {  	s0 =	sand.u32 $0x3800, s30;
	s31 =	sand.u32 $0x380, s29;
	p0 =	sne.s32 s30, $0x3F00;
	[tilespmem:s28+$0xC150] =	vst v20;
	v11 =	vadd.f32 v19, v11;
	v13 =	vsub.f32 v13, v9;
	v19 =	vld [tilespmem:s28+$0xC560]  }
0x1cf: {  	s0 =	sor.u32 s31, s0;
	[tilespmem:s28+$0xC160] =	vst v17;
	v10 =	vadd.f32 v18, v10;
	v14 =	vsub.f32 v14, v8;
	v17 =	vld [tilespmem:s28+$0xC570]  }
0x1d0: {  	v18 =	vld [tilespmem:s0+$0x10100];
	[tilespmem:s28+$0xC170] =	vst v11;
	v9 =	vadd.f32 v13, v9;
	v11 =	vsub.f32 v12, v7  }
0x1d1: {  	v12 =	vld [tilespmem:s0+$0x10110];
	[tilespmem:s28+$0xC500] =	vst v10;
	v8 =	vadd.f32 v14, v8;
	v10 =	vsub.f32 v15, v6  }
0x1d2: {  	v13 =	vld [tilespmem:s0+$0x10120];
	[tilespmem:s28+$0xC510] =	vst v9;
	v7 =	vadd.f32 v11, v7;
	v9 =	vsub.f32 v16, v5  }
0x1d3: {  	v14 =	vld [tilespmem:s0+$0x10130];
	[tilespmem:s28+$0xC520] =	vst v8;
	v6 =	vadd.f32 v10, v6;
	v8 =	vsub.f32 v19, v4  }
0x1d4: {  	v15 =	vld [tilespmem:s0+$0x10140];
	[tilespmem:s28+$0xC530] =	vst v7;
	v5 =	vadd.f32 v9, v5;
	v7 =	vsub.f32 v17, v3  }
0x1d5: {  	v16 =	vld [tilespmem:s0+$0x10150];
	[tilespmem:s28+$0xC540] =	vst v6;
	v4 =	vadd.f32 v8, v4  }
0x1d6: {  	v17 =	vld [tilespmem:s0+$0x10160];
	[tilespmem:s28+$0xC550] =	vst v5;
	v3 =	vadd.f32 v7, v3  }
0x1d7: {  	v11 =	vld [tilespmem:s0+$0x10170];
	[tilespmem:s28+$0xC560] =	vst v4  }
0x1d8: {  	v10 =	vld [tilespmem:s0+$0x10500];
	[tilespmem:s28+$0xC570] =	vst v3;
	s28 =	smov.u32 s0  }
0x1d9: {  	v9 =	vld [tilespmem:s28+$0x10510]  }
0x1da: {  	v8 =	vld [tilespmem:s28+$0x10520]  }
0x1db: {  	v7 =	vld [tilespmem:s28+$0x10530]  }
0x1dc: {  	v6 =	vld [tilespmem:s28+$0x10540]  }
0x1dd: {  	v5 =	vld [tilespmem:s28+$0x10550]  }
0x1de: {  	v4 =	vld [tilespmem:s28+$0x10560]  }
0x1df: {  	v3 =	vld [tilespmem:s28+$0x10570]  }
0x1e0: {  	v19 =	vld [tilespmem:s28+$0xC100]  }
0x1e1: {  	v20 =	vld [tilespmem:s28+$0xC110]  }
0x1e2: {  	v21 =	vld [tilespmem:s28+$0xC120]  }
0x1e3: {  	v22 =	vld [tilespmem:s28+$0xC130]  }
0x1e4: {  	v23 =	vld [tilespmem:s28+$0xC140]  }
0x1e5: {  	v19 =	vsub.f32 v19, v18;
	v24 =	vld [tilespmem:s28+$0xC150]  }
0x1e6: {  	v20 =	vsub.f32 v20, v12;
	v25 =	vld [tilespmem:s28+$0xC160]  }
0x1e7: {  	v18 =	vadd.f32 v19, v18;
	v19 =	vsub.f32 v21, v13;
	v21 =	vld [tilespmem:s28+$0xC170]  }
0x1e8: {  	v12 =	vadd.f32 v20, v12;
	v20 =	vsub.f32 v22, v14;
	v22 =	vld [tilespmem:s28+$0xC500]  }
.Ltmp3:
0x1e9: {  	[tilespmem:s28+$0xC100] =	vst v18;
	v18 =	vadd.f32 v19, v13;
	v19 =	vsub.f32 v23, v15;
	v13 =	vld [tilespmem:s28+$0xC510];
	(pc) =	sbr.rel @p0 .LBB2_8-.Ltmp3, $4  }
0x1ea: {  	[tilespmem:s28+$0xC110] =	vst v12;
	v20 =	vadd.f32 v20, v14;
	v23 =	vsub.f32 v24, v16;
	v14 =	vld [tilespmem:s28+$0xC520]  }
0x1eb: {  	[tilespmem:s28+$0xC120] =	vst v18;
	v18 =	vadd.f32 v19, v15;
	v24 =	vsub.f32 v25, v17;
	v12 =	vld [tilespmem:s28+$0xC530]  }
0x1ec: {  	[tilespmem:s28+$0xC130] =	vst v20;
	v20 =	vadd.f32 v23, v16;
	v19 =	vsub.f32 v21, v11;
	v15 =	vld [tilespmem:s28+$0xC540]  }
0x1ed: {  	s29 =	sadd.s32 $0x80, s29;
	s30 =	sadd.s32 $0x100, s30;
	[tilespmem:s28+$0xC140] =	vst v18;
	v17 =	vadd.f32 v24, v17;
	v18 =	vsub.f32 v22, v10;
	v16 =	vld [tilespmem:s28+$0xC550]  }
0x1ee: {  	[tilespmem:s28+$0xC150] =	vst v20;
	v57 =	vld [tilespmem:s28+$0xC560];
	v11 =	vadd.f32 v19, v11;
	v13 =	vsub.f32 v13, v9  }
0x1ef: {  	v58 =	vld [tilespmem:s28+$0xC570];
	[tilespmem:s28+$0xC160] =	vst v17;
	v10 =	vadd.f32 v18, v10;
	v14 =	vsub.f32 v14, v8  }
0x1f0: {  	[tilespmem:s28+$0xC170] =	vst v11;
	v9 =	vadd.f32 v13, v9;
	v59 =	vsub.f32 v12, v7  }
0x1f1: {  	[tilespmem:s28+$0xC500] =	vst v10;
	v8 =	vadd.f32 v14, v8;
	v60 =	vsub.f32 v15, v6  }
0x1f2: {  	[tilespmem:s28+$0xC510] =	vst v9;
	v7 =	vadd.f32 v59, v7;
	v61 =	vsub.f32 v16, v5  }
0x1f3: {  	[tilespmem:s28+$0xC520] =	vst v8;
	v6 =	vadd.f32 v60, v6;
	v62 =	vsub.f32 v57, v4  }
0x1f4: {  	v63 =	vsub.f32 v58, v3;
	[tilespmem:s28+$0xC530] =	vst v7;
	v5 =	vadd.f32 v61, v5  }
0x1f5: {  	[tilespmem:s28+$0xC540] =	vst v6;
	v4 =	vadd.f32 v62, v4  }
0x1f6: {  	s26 =	sadd.s32 $0x1, s26;
	v3 =	vadd.f32 v63, v3;
	[tilespmem:s28+$0xC550] =	vst v5  }
0x1f7: {  	p0 =	sne.s32 s26, s10;
	[tilespmem:s28+$0xC560] =	vst v4  }
.Ltmp4:
0x1f8: {  	[tilespmem:s28+$0xC570] =	vst v3;
	(pc) =	sbr.rel @p0 .LBB2_1-.Ltmp4, $4  }
0x1f9: {  	[hbm4b:s9+s3] =	stream.linear.scatter [tilespmem:s12], [sflag:$0x2], $0x10000, $0x38;
	[tilespmem:$0x14100] =	vst v63  }
0x1fa: {  	_ =	swait.ge [sflag:s11], $0x10000  }
0x1fb: {  	[sflag:s11] =	ssyncset.done $0x0  }
0x1fc: {  	[sflag:s11] =	ssyncadd.s32 $0xFFFF0000  }
0x1fd: {  	_ =	sfence.sel $0x180000  }
0x1fe: {  	[bflag:$0x0] =	sbarrier.arrive $0xFFFF  }
0x1ff: {  	_ =	strace $0x90000047  }
0x200: {  	s0 =	stileid.u32;
	[bflag:$0x2] =	sbarrier.arrive $0xFFFF  }
0x201: {  	p0 =	sne.s32 s0, $0x0;
	s0 =	rddreg [dreg:$0x4]  }
0x202: {  	s0 =	sadd.s32 @!p0 $0x100000, s0  }
0x203: {  	[sflag:s0] =	ssyncadd.tile.s32 @!p0 $0x1;
	_ =	shalt  }
.Lfunc_end2:
_tile_overlayer_lowered:
.L_overlay_start_2:
0x204: {  	(tag) =	ssettag $0x2  }
0x205: {  	s0 =	rddreg [dreg:$0x0];
	s2 =	stileid.u32  }
0x206: {  	s1 =	rddreg [dreg:$0x1];
	p0 =	sne.s32 s2, $0x0  }
0x207: {  	s3 =	rddreg [dreg:$0x2];
	[bflag:$0x3] =	sbarrier.arrive $0xFFFF;
	s2 =	simm.s32 @!p0 $0x1C02  }
0x208: {  	[timem:s3], [sflag:s2] =	dma.local @!p0 [hbm:s0], s1  }
0x209: {  	s0 =	simm.s32 @!p0 $0x2  }
0x20a: {  	_ =	swait.ge @!p0 [sflag:s0], s1  }
0x20b: {  	s1 =	ssub.s32 @!p0 $0x0, s1;
	[sflag:s0] =	ssyncset.done @!p0 $0x0  }
0x20c: {  	[sflag:s0] =	ssyncadd.s32 @!p0 s1  }
0x20d: {  	[bflag:$0x3] =	sbarrier.arrive $0xFFFF  }
0x20e: {  	_ =	shalt  }

</sc_bundles>
